<compile_context>
chip_gen: v7x
topology: tpu7x:2x2x1
jax: 0.10.2.dev20260603
libtpu: 0.0.44.dev20260713+nightly
codegen_flags: <defaults>
</compile_context>

<pallas_src>
import functools

import jax
import jax.numpy as jnp
from jax import lax
from jax.experimental import pallas as pl
from jax.experimental.pallas import tpu as pltpu
from jax.experimental.pallas import tpu_sc as plsc

NPAIR = 262144
NQ = 200000
NQ_PAD = 229376
CODE_SPACE = 1 << 24
NC = 2
NT = 16
DUMPSZ = NPAIR
ZEROSZ = 32768
DUMP_BASE = CODE_SPACE
ZERO_BASE = CODE_SPACE + DUMPSZ
MAPW = ZERO_BASE + ZEROSZ
ZSPAN = CODE_SPACE // NT
SCW = 128
PAIR_ROWS = NPAIR // SCW
Q_ROWS = NQ_PAD // 128
ROWS_PER_TILE = PAIR_ROWS // NT
QROWS_PER_TILE = Q_ROWS // (NC * NT)

NPTS = 500000
BLK = 8192
GRID_F = 62
NPTS_PAD = GRID_F * BLK

ACCEPTANCE_OVERLAP = 0.1
ACCEPTANCE_RADIUS = 0.1
RMSE_THRESHOLD = 0.2



def _codes_body(gtr, gts, ovl, qr, qs, codes_o, qcodes_o):
    code = gtr[...] * 4096 + gts[...]
    masked = ovl[...] > ACCEPTANCE_OVERLAP
    row = lax.broadcasted_iota(jnp.int32, (PAIR_ROWS, SCW), 0)
    col = lax.broadcasted_iota(jnp.int32, (PAIR_ROWS, SCW), 1)
    pos = row * SCW + col
    codes_o[...] = jnp.where(masked, code, DUMP_BASE + pos)
    qrow = lax.broadcasted_iota(jnp.int32, (Q_ROWS, 128), 0)
    qcol = lax.broadcasted_iota(jnp.int32, (Q_ROWS, 128), 1)
    qpos = qrow * 128 + qcol
    qvalid = qpos < NQ
    qcode = qr[...] * 4096 + qs[...]
    zslot = ZERO_BASE + (qpos & (ZEROSZ - 1))
    qcodes_o[...] = jnp.where(qvalid, qcode, zslot)


def _compute_codes(gtr, gts, ovl, qr, qs):
    return pl.pallas_call(
        _codes_body,
        out_shape=[
            jax.ShapeDtypeStruct((PAIR_ROWS, SCW), jnp.int32),
            jax.ShapeDtypeStruct((Q_ROWS, 128), jnp.int32),
        ],
    )(gtr, gts, ovl, qr, qs)



def _sc_scatter_body(codes_hbm, map_hbm, zbuf, cbuf, ones, semz, sems, sem1):
    tid = lax.axis_index("s")

    pltpu.async_copy(
        codes_hbm.at[pl.ds(tid * ROWS_PER_TILE, ROWS_PER_TILE)], cbuf, sems)

    def _zb(i, _):
        zbuf[pl.ds(i * 16, 16)] = jnp.zeros((16,), jnp.float32)
        return 0
    lax.fori_loop(0, 1024, _zb, 0)

    def _ob(i, _):
        ones[pl.ds(i * 16, 16)] = jnp.full((16,), 1.0, jnp.float32)
        return 0
    lax.fori_loop(0, SCW // 16, _ob, 0)

    zbase = tid * ZSPAN
    def _zc(i, _):
        pltpu.async_copy(zbuf, map_hbm.at[pl.ds(zbase + i * 16384, 16384)],
                         semz)
        return 0
    lax.fori_loop(0, 64, _zc, 0)
    zrspan = ZEROSZ // NT
    zrbase = ZERO_BASE + tid * zrspan
    pltpu.async_copy(zbuf.at[pl.ds(0, zrspan)],
                     map_hbm.at[pl.ds(zrbase, zrspan)], semz)

    def _zd(i, _):
        pltpu.make_async_copy(
            zbuf, map_hbm.at[pl.ds(zbase + i * 16384, 16384)], semz).wait()
        return 0
    lax.fori_loop(0, 64, _zd, 0)
    pltpu.make_async_copy(zbuf.at[pl.ds(0, zrspan)],
                          map_hbm.at[pl.ds(zrbase, zrspan)], semz).wait()

    pltpu.make_async_copy(
        codes_hbm.at[pl.ds(tid * ROWS_PER_TILE, ROWS_PER_TILE)],
        cbuf, sems).wait()

    plsc.subcore_barrier()

    def _fire(j, _):
        pltpu.async_copy(ones, map_hbm.at[cbuf.at[j]], sem1)
        return 0
    lax.fori_loop(0, ROWS_PER_TILE, _fire, 0)

    def _drain(j, _):
        pltpu.make_async_copy(ones, map_hbm.at[cbuf.at[j]], sem1).wait()
        return 0
    lax.fori_loop(0, ROWS_PER_TILE, _drain, 0)


@functools.cache
def _sc_scatter():
    mesh = plsc.VectorSubcoreMesh(
        core_axis_name="c", subcore_axis_name="s",
        num_cores=1, num_subcores=NT)
    return pl.kernel(
        _sc_scatter_body,
        out_type=jax.ShapeDtypeStruct((MAPW,), jnp.float32),
        mesh=mesh,
        scratch_types=[
            pltpu.VMEM((16384,), jnp.float32),
            pltpu.VMEM((ROWS_PER_TILE, SCW), jnp.int32),
            pltpu.VMEM((SCW,), jnp.float32),
            pltpu.SemaphoreType.DMA,
            pltpu.SemaphoreType.DMA,
            pltpu.SemaphoreType.DMA,
        ],
    )



def _sc_gather_body(qcodes_hbm, map_hbm, part_hbm, qbuf, gvals, accv, sems,
                    sem2):
    tid = lax.axis_index("s")
    cid = lax.axis_index("c")
    wid = cid * NT + tid

    pltpu.sync_copy(
        qcodes_hbm.at[pl.ds(wid * QROWS_PER_TILE, QROWS_PER_TILE)], qbuf)

    def _gfire(j, _):
        pltpu.async_copy(map_hbm.at[qbuf.at[j]], gvals.at[j], sem2)
        return 0
    lax.fori_loop(0, QROWS_PER_TILE, _gfire, 0)

    def _gdrain(j, _):
        pltpu.make_async_copy(map_hbm.at[qbuf.at[j]], gvals.at[j], sem2).wait()
        return 0
    lax.fori_loop(0, QROWS_PER_TILE, _gdrain, 0)

    def _row(j, acc):
        g = gvals.at[j]
        def _grp(k, acc2):
            return acc2 + g[pl.ds(k * 16, 16)]
        return lax.fori_loop(0, 8, _grp, acc)
    acc = lax.fori_loop(0, QROWS_PER_TILE, _row,
                        jnp.zeros((16,), jnp.float32))
    accv[...] = acc
    pltpu.sync_copy(accv, part_hbm.at[cid, tid])


@functools.cache
def _sc_gather():
    mesh = plsc.VectorSubcoreMesh(
        core_axis_name="c", subcore_axis_name="s",
        num_cores=NC, num_subcores=NT)
    return pl.kernel(
        _sc_gather_body,
        out_type=jax.ShapeDtypeStruct((NC, NT, 16), jnp.float32),
        mesh=mesh,
        scratch_types=[
            pltpu.VMEM((QROWS_PER_TILE, 128), jnp.int32),
            pltpu.VMEM((QROWS_PER_TILE, 128), jnp.float32),
            pltpu.VMEM((16,), jnp.float32),
            pltpu.SemaphoreType.DMA,
            pltpu.SemaphoreType.DMA,
        ],
    )



def _stream_body(ref_r, srcc_r, srcf_r, tf_r, rl_r, out_r):
    i = pl.program_id(0)

    @pl.when(i == 0)
    def _():
        out_r[...] = jnp.zeros_like(out_r)

    tf = tf_r[...]
    rl = rl_r[...]

    gidx = i * BLK + lax.broadcasted_iota(jnp.int32, (1, BLK), 1)
    valid = gidx < NPTS

    sx = srcc_r[0:1, :]
    sy = srcc_r[1:2, :]
    sz = srcc_r[2:3, :]
    dx = ref_r[0:1, :] - (tf[0, 0] * sx + tf[0, 1] * sy + tf[0, 2] * sz + tf[0, 3])
    dy = ref_r[1:2, :] - (tf[1, 0] * sx + tf[1, 1] * sy + tf[1, 2] * sz + tf[1, 3])
    dz = ref_r[2:3, :] - (tf[2, 0] * sx + tf[2, 1] * sy + tf[2, 2] * sz + tf[2, 3])
    d2 = dx * dx + dy * dy + dz * dz
    nclose = jnp.sum(jnp.where(
        valid & (d2 < ACCEPTANCE_RADIUS * ACCEPTANCE_RADIUS), 1.0, 0.0))

    fx = srcf_r[0:1, :]
    fy = srcf_r[1:2, :]
    fz = srcf_r[2:3, :]
    ex = rl[0, 0] * fx + rl[0, 1] * fy + rl[0, 2] * fz + rl[0, 3] - fx
    ey = rl[1, 0] * fx + rl[1, 1] * fy + rl[1, 2] * fz + rl[1, 3] - fy
    ez = rl[2, 0] * fx + rl[2, 1] * fy + rl[2, 2] * fz + rl[2, 3] - fz
    rn = jnp.sqrt(ex * ex + ey * ey + ez * ez)
    rsum = jnp.sum(jnp.where(valid, rn, 0.0))

    lanes = lax.broadcasted_iota(jnp.int32, (1, 128), 1)
    out_r[...] += (jnp.where(lanes == 0, nclose, 0.0)
                   + jnp.where(lanes == 1, rsum, 0.0))


def _stream_call(ref_t, srcc_t, srcf_t, tf, rl):
    big = pl.BlockSpec((3, BLK), lambda i: (0, i))
    small4 = pl.BlockSpec((4, 4), lambda i: (0, 0))
    return pl.pallas_call(
        _stream_body,
        grid=(GRID_F,),
        in_specs=[big, big, big, small4, small4],
        out_specs=pl.BlockSpec((1, 128), lambda i: (0, 0)),
        out_shape=jax.ShapeDtypeStruct((1, 128), jnp.float32),
    )(ref_t, srcc_t, srcf_t, tf, rl)



def _final_body(sums_r, part_r, tf_r, est_r, out_r):
    a = sums_r[...]
    lanes = lax.broadcasted_iota(jnp.int32, (1, 128), 1)
    total_close = jnp.sum(jnp.where(lanes == 0, a, 0.0))
    total_rsum = jnp.sum(jnp.where(lanes == 1, a, 0.0))
    f_prec = total_close / NPTS
    rmse = total_rsum / NPTS
    recall = jnp.where(rmse < RMSE_THRESHOLD, 1.0, 0.0)
    c_prec = jnp.sum(part_r[...]) / NQ
    tf = tf_r[...]
    est = est_r[...]
    rte = jnp.sqrt((tf[0, 3] - est[0, 3]) ** 2
                   + (tf[1, 3] - est[1, 3]) ** 2
                   + (tf[2, 3] - est[2, 3]) ** 2)
    tr = (tf[0, 0] * est[0, 0] + tf[0, 1] * est[0, 1] + tf[0, 2] * est[0, 2]
          + tf[1, 0] * est[1, 0] + tf[1, 1] * est[1, 1] + tf[1, 2] * est[1, 2]
          + tf[2, 0] * est[2, 0] + tf[2, 1] * est[2, 1] + tf[2, 2] * est[2, 2])
    x = jnp.clip(0.5 * (tr - 1.0), -1.0, 1.0)
    out_r[...] = (jnp.where(lanes == 0, c_prec, 0.0)
                  + jnp.where(lanes == 1, f_prec, 0.0)
                  + jnp.where(lanes == 2, x, 0.0)
                  + jnp.where(lanes == 3, rte, 0.0)
                  + jnp.where(lanes == 4, rmse, 0.0)
                  + jnp.where(lanes == 5, recall, 0.0))


def _final_call(sums, partials, tf, est):
    return pl.pallas_call(
        _final_body,
        out_shape=jax.ShapeDtypeStruct((1, 128), jnp.float32),
    )(sums, partials, tf, est)



def kernel(ref_points_c, src_points_c, gt_node_corr_overlaps,
           gt_node_corr_indices, ref_node_corr_indices, src_node_corr_indices,
           ref_corr_points, src_corr_points, src_points_f, src_lengths_f,
           transform, estimated_transform):
    gtr = gt_node_corr_indices[:, 0].reshape(PAIR_ROWS, SCW)
    gts = gt_node_corr_indices[:, 1].reshape(PAIR_ROWS, SCW)
    ovl = gt_node_corr_overlaps.reshape(PAIR_ROWS, SCW)
    pad_q = NQ_PAD - NQ
    qr = jnp.pad(ref_node_corr_indices, (0, pad_q)).reshape(Q_ROWS, 128)
    qs = jnp.pad(src_node_corr_indices, (0, pad_q)).reshape(Q_ROWS, 128)

    pad_p = NPTS_PAD - NPTS
    ref_t = jnp.pad(ref_corr_points.T, ((0, 0), (0, pad_p)))
    srcc_t = jnp.pad(src_corr_points.T, ((0, 0), (0, pad_p)))
    srcf_t = jnp.pad(src_points_f.T, ((0, 0), (0, pad_p)))

    tf = transform[0]
    est = estimated_transform[0]
    rl = jnp.linalg.inv(tf) @ est

    codes, qcodes = _compute_codes(gtr, gts, ovl, qr, qs)
    map_hbm = _sc_scatter()(codes)
    partials = _sc_gather()(qcodes, map_hbm)

    sums = _stream_call(ref_t, srcc_t, srcf_t, tf, rl)

    out = _final_call(sums, partials, tf, est)

    rre = jnp.degrees(jnp.arccos(out[0, 2]))
    return jnp.stack([out[0, 0], out[0, 1], rre, out[0, 3], out[0, 4],
                      out[0, 5]])

# --- scband reference (transcript-rebuilt; emitter-appended) ---
"""Pipeline reference for scband-evaluator-66666482369256 (READ-ONLY COPY).

The authoritative reference and input builder live on the scoring server;
editing this copy changes nothing except your own understanding.
"""

import jax, jax.numpy as jnp
import numpy as np

ACCEPTANCE_OVERLAP = 0.1
ACCEPTANCE_RADIUS = 0.1
RMSE_THRESHOLD = 0.2


def apply_transform(points, T):
    R = T[:3, :3]
    t = T[:3, 3]
    return points @ R.T + t


def isotropic_transform_error(gt, est):
    R_gt = gt[:, :3, :3]
    R_est = est[:, :3, :3]
    t_gt = gt[:, :3, 3]
    t_est = est[:, :3, 3]
    rel = jnp.matmul(jnp.transpose(R_gt, (0, 2, 1)), R_est)
    tr = jnp.trace(rel, axis1=1, axis2=2)
    x = jnp.clip(0.5 * (tr - 1.0), -1.0, 1.0)
    rre = jnp.degrees(jnp.arccos(x))
    rte = jnp.linalg.norm(t_gt - t_est, axis=1)
    return rre, rte


def setup_inputs(seed: int = 0):
    key = jax.random.key(seed)
    ks = jax.random.split(key, 12)
    inp = {}
    inp['ref_points_c'] = jax.random.normal(ks[0], (4096, 3), dtype=jnp.float32)
    inp['src_points_c'] = jax.random.normal(ks[1], (4096, 3), dtype=jnp.float32)
    inp['gt_node_corr_overlaps'] = jax.random.uniform(ks[2], (262144,), dtype=jnp.float32)
    inp['gt_node_corr_indices'] = jax.random.randint(ks[3], (262144, 2), 0, 4096)
    inp['ref_node_corr_indices'] = jax.random.randint(ks[4], (200000,), 0, 4096)
    inp['src_node_corr_indices'] = jax.random.randint(ks[5], (200000,), 0, 4096)
    inp['ref_corr_points'] = jax.random.normal(ks[6], (500000, 3), dtype=jnp.float32)
    inp['src_corr_points'] = jax.random.normal(ks[7], (500000, 3), dtype=jnp.float32)
    inp['src_points_f'] = jax.random.normal(ks[8], (500000, 3), dtype=jnp.float32)
    inp['src_lengths_f'] = jnp.array([500000], dtype=jnp.int32)
    inp['transform'] = jax.random.normal(ks[9], (1, 4, 4), dtype=jnp.float32)
    inp['estimated_transform'] = jax.random.normal(ks[10], (1, 4, 4), dtype=jnp.float32)
    return inp


def reference(ref_points_c, src_points_c, gt_node_corr_overlaps, gt_node_corr_indices,
              ref_node_corr_indices, src_node_corr_indices, ref_corr_points,
              src_corr_points, src_points_f, src_lengths_f, transform, estimated_transform):
    ref_length_c = ref_points_c.shape[0]
    src_length_c = src_points_c.shape[0]

    # --- evaluate_coarse ---
    masks = gt_node_corr_overlaps > ACCEPTANCE_OVERLAP
    gt_ref_idx = gt_node_corr_indices[:, 0]
    gt_src_idx = gt_node_corr_indices[:, 1]
    gt_node_corr_map = jnp.zeros((ref_length_c, src_length_c), dtype=jnp.float32)
    gt_node_corr_map = gt_node_corr_map.at[gt_ref_idx, gt_src_idx].max(masks.astype(jnp.float32))
    c_precision = gt_node_corr_map[ref_node_corr_indices, src_node_corr_indices].mean()

    # --- evaluate_fine (batch_size == 1 path) ---
    src_corr_t = apply_transform(src_corr_points, transform[0])
    corr_distances = jnp.linalg.norm(ref_corr_points - src_corr_t, axis=1)
    f_precision = (corr_distances < ACCEPTANCE_RADIUS).astype(jnp.float32).mean()

    # --- evaluate_registration (batch_size == 1) ---
    rre, rte = isotropic_transform_error(transform, estimated_transform)
    realignment = jnp.linalg.inv(transform[0]) @ estimated_transform[0]
    realigned = apply_transform(src_points_f, realignment)
    rmse = jnp.linalg.norm(realigned - src_points_f, axis=1).mean()
    recall = (rmse < RMSE_THRESHOLD).astype(jnp.float32)

    return jnp.stack([c_precision, f_precision, rre.mean(), rte.mean(), rmse, recall])

if __name__ == "__main__":
    import jax
    _d = setup_inputs()
    print(jax.jit(kernel)(*tuple(_d.values())))

</pallas_src>

<mosaic_0001>
#map = affine_map<(d0, d1) -> (0, 0)>
#map1 = affine_map<(d0, d1) -> (0)>
module attributes {stable_mosaic.version = 14 : i64} {
  func.func @_sc_scatter_body(%arg0: i32, %arg1: i32, %arg2: memref<2048x128xi32, #tpu.memory_space<hbm>>, %arg3: memref<17072128xf32, #tpu.memory_space<hbm>>, %arg4: memref<16384xf32, #tpu.memory_space<vmem>>, %arg5: memref<128x128xi32, #tpu.memory_space<vmem>>, %arg6: memref<128xf32, #tpu.memory_space<vmem>>, %arg7: memref<!tpu.dma_semaphore, #tpu.memory_space<semaphore_mem>>, %arg8: memref<!tpu.dma_semaphore, #tpu.memory_space<semaphore_mem>>, %arg9: memref<!tpu.dma_semaphore, #tpu.memory_space<semaphore_mem>>) attributes {dimension_semantics = [#tpu.dimension_semantics<core_parallel>, #tpu.dimension_semantics<subcore_parallel>], iteration_bounds = array<i64: 1, 16>, scalar_prefetch = 0 : i64, scratch_operands = 6 : i64, tpu.core_type = #tpu.core_type<sc_vector_subcore>, window_params = [{transform_indices = #map}, {transform_indices = #map1}]} {
    %mul3A = arith.constant 128 : i32
    %mul3A_0 = arith.muli %arg1, %mul3A : i32
    %dma_start3A = arith.constant 0 : i32
    %dma_start3A_1 = tpu.memref_slice %arg2[%mul3A_0, %dma_start3A] : memref<2048x128xi32, #tpu.memory_space<hbm>> -> memref<128x128xi32, #tpu.memory_space<hbm>>
    %dma_start3A_2 = arith.constant 0 : i32
    %dma_start3A_3 = tpu.memref_slice %arg2[%mul3A_0, %dma_start3A_2] : memref<2048x128xi32, #tpu.memory_space<hbm>> -> memref<128x128xi32, #tpu.memory_space<hbm>>
    tpu.enqueue_dma source(%dma_start3A_3 : memref<128x128xi32, #tpu.memory_space<hbm>>) target(%arg5 : memref<128x128xi32, #tpu.memory_space<vmem>>) target_semaphore(%arg8 : memref<!tpu.dma_semaphore, #tpu.memory_space<semaphore_mem>>)
    %scan3A = arith.constant 0 : i32
    %scan3A_4 = arith.constant 0 : i32
    %scan3A_5 = arith.constant 1024 : i32
    %scan3A_6 = arith.addi %scan3A_4, %scan3A_5 : i32
    %scan3A_7 = arith.constant 1 : i32
    %scan3A_8 = scf.for %scan3A_67 = %scan3A_4 to %scan3A_6 step %scan3A_7 iter_args(%scan3A_68 = %scan3A) -> (i32)  : i32 {
      %broadcast_in_dim3A = arith.constant 0.000000e+00 : f32
      %broadcast_in_dim3A_69 = vector.broadcast %broadcast_in_dim3A : f32 to vector<16xf32>
      %mul3A_70 = arith.constant 16 : i32
      %mul3A_71 = arith.muli %scan3A_67, %mul3A_70 : i32
      %swap3A = arith.index_cast %mul3A_71 : i32 to index
      %swap3A_72 = tpu.vector_load %arg4[%swap3A] {strides = array<i32>} : memref<16384xf32, #tpu.memory_space<vmem>>, vector<16xf32>,
      %swap3A_73 = vector.shape_cast %swap3A_72 : vector<16xf32> to vector<16xf32>
      %swap3A_74 = vector.shape_cast %broadcast_in_dim3A_69 : vector<16xf32> to vector<16xf32>
      tpu.vector_store %arg4[%swap3A], %swap3A_74 {strides = array<i32>} : memref<16384xf32, #tpu.memory_space<vmem>>, vector<16xf32>,
      %scan3A_75 = arith.constant 0 : i32
      scf.yield %scan3A_75 : i32
    }
    %scan3A_9 = arith.constant 1024 : i32
    %scan3A_10 = arith.constant 0 : i32
    %scan3A_11 = arith.constant 0 : i32
    %scan3A_12 = arith.constant 8 : i32
    %scan3A_13 = arith.addi %scan3A_11, %scan3A_12 : i32
    %scan3A_14 = arith.constant 1 : i32
    %scan3A_15 = scf.for %scan3A_67 = %scan3A_11 to %scan3A_13 step %scan3A_14 iter_args(%scan3A_68 = %scan3A_10) -> (i32)  : i32 {
      %broadcast_in_dim3A = arith.constant 1.000000e+00 : f32
      %broadcast_in_dim3A_69 = vector.broadcast %broadcast_in_dim3A : f32 to vector<16xf32>
      %mul3A_70 = arith.constant 16 : i32
      %mul3A_71 = arith.muli %scan3A_67, %mul3A_70 : i32
      %swap3A = arith.index_cast %mul3A_71 : i32 to index
      %swap3A_72 = tpu.vector_load %arg6[%swap3A] {strides = array<i32>} : memref<128xf32, #tpu.memory_space<vmem>>, vector<16xf32>,
      %swap3A_73 = vector.shape_cast %swap3A_72 : vector<16xf32> to vector<16xf32>
      %swap3A_74 = vector.shape_cast %broadcast_in_dim3A_69 : vector<16xf32> to vector<16xf32>
      tpu.vector_store %arg6[%swap3A], %swap3A_74 {strides = array<i32>} : memref<128xf32, #tpu.memory_space<vmem>>, vector<16xf32>,
      %scan3A_75 = arith.constant 0 : i32
      scf.yield %scan3A_75 : i32
    }
    %scan3A_16 = arith.constant 8 : i32
    %mul3A_17 = arith.constant 1048576 : i32
    %mul3A_18 = arith.muli %arg1, %mul3A_17 : i32
    %scan3A_19 = arith.constant 0 : i32
    %scan3A_20 = arith.constant 0 : i32
    %scan3A_21 = arith.constant 64 : i32
    %scan3A_22 = arith.addi %scan3A_20, %scan3A_21 : i32
    %scan3A_23 = arith.constant 1 : i32
    %scan3A_24 = scf.for %scan3A_67 = %scan3A_20 to %scan3A_22 step %scan3A_23 iter_args(%scan3A_68 = %scan3A_19) -> (i32)  : i32 {
      %mul3A_69 = arith.constant 16384 : i32
      %mul3A_70 = arith.muli %scan3A_67, %mul3A_69 : i32
      %add3A_71 = arith.addi %mul3A_18, %mul3A_70 : i32
      %dma_start3A_72 = tpu.memref_slice %arg3[%add3A_71] : memref<17072128xf32, #tpu.memory_space<hbm>> -> memref<16384xf32, #tpu.memory_space<hbm>>
      %dma_start3A_73 = tpu.memref_slice %arg3[%add3A_71] : memref<17072128xf32, #tpu.memory_space<hbm>> -> memref<16384xf32, #tpu.memory_space<hbm>>
      tpu.enqueue_dma source(%arg4 : memref<16384xf32, #tpu.memory_space<vmem>>) target(%dma_start3A_73 : memref<16384xf32, #tpu.memory_space<hbm>>) target_semaphore(%arg7 : memref<!tpu.dma_semaphore, #tpu.memory_space<semaphore_mem>>)
      %scan3A_74 = arith.constant 0 : i32
      scf.yield %scan3A_74 : i32
    }
    %scan3A_25 = arith.constant 64 : i32
    %mul3A_26 = arith.constant 2048 : i32
    %mul3A_27 = arith.muli %arg1, %mul3A_26 : i32
    %add3A = arith.constant 17039360 : i32
    %add3A_28 = arith.addi %add3A, %mul3A_27 : i32
    %dma_start3A_29 = arith.constant 0 : i32
    %dma_start3A_30 = tpu.memref_slice %arg4[%dma_start3A_29] : memref<16384xf32, #tpu.memory_space<vmem>> -> memref<2048xf32, #tpu.memory_space<vmem>>
    %dma_start3A_31 = tpu.memref_slice %arg3[%add3A_28] : memref<17072128xf32, #tpu.memory_space<hbm>> -> memref<2048xf32, #tpu.memory_space<hbm>>
    %dma_start3A_32 = tpu.memref_slice %arg3[%add3A_28] : memref<17072128xf32, #tpu.memory_space<hbm>> -> memref<2048xf32, #tpu.memory_space<hbm>>
    %dma_start3A_33 = arith.constant 0 : i32
    %dma_start3A_34 = tpu.memref_slice %arg4[%dma_start3A_33] : memref<16384xf32, #tpu.memory_space<vmem>> -> memref<2048xf32, #tpu.memory_space<vmem>>
    tpu.enqueue_dma source(%dma_start3A_34 : memref<2048xf32, #tpu.memory_space<vmem>>) target(%dma_start3A_32 : memref<2048xf32, #tpu.memory_space<hbm>>) target_semaphore(%arg7 : memref<!tpu.dma_semaphore, #tpu.memory_space<semaphore_mem>>)
    %scan3A_35 = arith.constant 0 : i32
    %scan3A_36 = arith.constant 0 : i32
    %scan3A_37 = arith.constant 64 : i32
    %scan3A_38 = arith.addi %scan3A_36, %scan3A_37 : i32
    %scan3A_39 = arith.constant 1 : i32
    %scan3A_40 = scf.for %scan3A_67 = %scan3A_36 to %scan3A_38 step %scan3A_39 iter_args(%scan3A_68 = %scan3A_35) -> (i32)  : i32 {
      %mul3A_69 = arith.constant 16384 : i32
      %mul3A_70 = arith.muli %scan3A_67, %mul3A_69 : i32
      %add3A_71 = arith.addi %mul3A_18, %mul3A_70 : i32
      %dma_wait3A_72 = tpu.memref_slice %arg3[%add3A_71] : memref<17072128xf32, #tpu.memory_space<hbm>> -> memref<16384xf32, #tpu.memory_space<hbm>>
      %dma_wait3A_73 = tpu.memref_slice %arg3[%add3A_71] : memref<17072128xf32, #tpu.memory_space<hbm>> -> memref<16384xf32, #tpu.memory_space<hbm>>
      tpu.wait_dma2 semaphore(%arg7 : memref<!tpu.dma_semaphore, #tpu.memory_space<semaphore_mem>>) src(%arg4 : memref<16384xf32, #tpu.memory_space<vmem>>) dst(%dma_wait3A_73 : memref<16384xf32, #tpu.memory_space<hbm>>)
      %scan3A_74 = arith.constant 0 : i32
      scf.yield %scan3A_74 : i32
    }
    %scan3A_41 = arith.constant 64 : i32
    %dma_wait3A = arith.constant 0 : i32
    %dma_wait3A_42 = tpu.memref_slice %arg4[%dma_wait3A] : memref<16384xf32, #tpu.memory_space<vmem>> -> memref<2048xf32, #tpu.memory_space<vmem>>
    %dma_wait3A_43 = tpu.memref_slice %arg3[%add3A_28] : memref<17072128xf32, #tpu.memory_space<hbm>> -> memref<2048xf32, #tpu.memory_space<hbm>>
    %dma_wait3A_44 = tpu.memref_slice %arg3[%add3A_28] : memref<17072128xf32, #tpu.memory_space<hbm>> -> memref<2048xf32, #tpu.memory_space<hbm>>
    %dma_wait3A_45 = arith.constant 0 : i32
    %dma_wait3A_46 = tpu.memref_slice %arg4[%dma_wait3A_45] : memref<16384xf32, #tpu.memory_space<vmem>> -> memref<2048xf32, #tpu.memory_space<vmem>>
    tpu.wait_dma2 semaphore(%arg7 : memref<!tpu.dma_semaphore, #tpu.memory_space<semaphore_mem>>) src(%dma_wait3A_46 : memref<2048xf32, #tpu.memory_space<vmem>>) dst(%dma_wait3A_44 : memref<2048xf32, #tpu.memory_space<hbm>>)
    %mul3A_47 = arith.constant 128 : i32
    %mul3A_48 = arith.muli %arg1, %mul3A_47 : i32
    %dma_wait3A_49 = arith.constant 0 : i32
    %dma_wait3A_50 = tpu.memref_slice %arg2[%mul3A_48, %dma_wait3A_49] : memref<2048x128xi32, #tpu.memory_space<hbm>> -> memref<128x128xi32, #tpu.memory_space<hbm>>
    %dma_wait3A_51 = arith.constant 0 : i32
    %dma_wait3A_52 = tpu.memref_slice %arg2[%mul3A_48, %dma_wait3A_51] : memref<2048x128xi32, #tpu.memory_space<hbm>> -> memref<128x128xi32, #tpu.memory_space<hbm>>
    tpu.wait_dma2 semaphore(%arg8 : memref<!tpu.dma_semaphore, #tpu.memory_space<semaphore_mem>>) src(%dma_wait3A_52 : memref<128x128xi32, #tpu.memory_space<hbm>>) dst(%arg5 : memref<128x128xi32, #tpu.memory_space<vmem>>)
    %barrier3A = arith.constant 0 : index
    tpu.barrier barrier_id(%barrier3A)
    %scan3A_53 = arith.constant 0 : i32
    %scan3A_54 = arith.constant 0 : i32
    %scan3A_55 = arith.constant 128 : i32
    %scan3A_56 = arith.addi %scan3A_54, %scan3A_55 : i32
    %scan3A_57 = arith.constant 1 : i32
    %scan3A_58 = scf.for %scan3A_67 = %scan3A_54 to %scan3A_56 step %scan3A_57 iter_args(%scan3A_68 = %scan3A_53) -> (i32)  : i32 {
      %dma_start3A_69 = arith.constant 0 : i32
      %dma_start3A_70 = tpu.memref_slice %arg5[%scan3A_67, %dma_start3A_69] : memref<128x128xi32, #tpu.memory_space<vmem>> -> memref<1x128xi32, #tpu.memory_space<vmem>>
      %dma_start3A_71 = tpu.memref_squeeze %dma_start3A_70 : memref<1x128xi32, #tpu.memory_space<vmem>> -> memref<128xi32, #tpu.memory_space<vmem>>
      %dma_start3A_72 = arith.constant 0 : i32
      %dma_start3A_73 = tpu.memref_slice %arg3[%dma_start3A_72] : memref<17072128xf32, #tpu.memory_space<hbm>> -> memref<17072128xf32, #tpu.memory_space<hbm>>
      tpu.enqueue_indirect_dma source(%arg6 : memref<128xf32, #tpu.memory_space<vmem>>) target(%dma_start3A_73 : memref<17072128xf32, #tpu.memory_space<hbm>>) offsets(%dma_start3A_71 : memref<128xi32, #tpu.memory_space<vmem>>) semaphore(%arg9 : memref<!tpu.dma_semaphore, #tpu.memory_space<semaphore_mem>>)
      %scan3A_74 = arith.constant 0 : i32
      scf.yield %scan3A_74 : i32
    }
    %scan3A_59 = arith.constant 128 : i32
    %scan3A_60 = arith.constant 0 : i32
    %scan3A_61 = arith.constant 0 : i32
    %scan3A_62 = arith.constant 128 : i32
    %scan3A_63 = arith.addi %scan3A_61, %scan3A_62 : i32
    %scan3A_64 = arith.constant 1 : i32
    %scan3A_65 = scf.for %scan3A_67 = %scan3A_61 to %scan3A_63 step %scan3A_64 iter_args(%scan3A_68 = %scan3A_60) -> (i32)  : i32 {
      %dma_wait3A_69 = arith.constant 0 : i32
      %dma_wait3A_70 = tpu.memref_slice %arg5[%scan3A_67, %dma_wait3A_69] : memref<128x128xi32, #tpu.memory_space<vmem>> -> memref<1x128xi32, #tpu.memory_space<vmem>>
      %dma_wait3A_71 = tpu.memref_squeeze %dma_wait3A_70 : memref<1x128xi32, #tpu.memory_space<vmem>> -> memref<128xi32, #tpu.memory_space<vmem>>
      %dma_wait3A_72 = arith.constant 0 : i32
      %dma_wait3A_73 = tpu.memref_slice %arg3[%dma_wait3A_72] : memref<17072128xf32, #tpu.memory_space<hbm>> -> memref<17072128xf32, #tpu.memory_space<hbm>>
      tpu.wait_indirect_dma semaphore(%arg9 : memref<!tpu.dma_semaphore, #tpu.memory_space<semaphore_mem>>) src(%arg6 : memref<128xf32, #tpu.memory_space<vmem>>) dst(%dma_wait3A_73 : memref<17072128xf32, #tpu.memory_space<hbm>>)
      %scan3A_74 = arith.constant 0 : i32
      scf.yield %scan3A_74 : i32
    }
    %scan3A_66 = arith.constant 128 : i32
    return
  }
}

#map = affine_map<(d0, d1) -> (0, 0)>
#map1 = affine_map<(d0, d1) -> (0)>
#map2 = affine_map<(d0, d1) -> (0, 0, 0)>
module attributes {stable_mosaic.version = 14 : i64} {
  func.func @_sc_gather_body(%arg0: i32, %arg1: i32, %arg2: memref<1792x128xi32, #tpu.memory_space<hbm>>, %arg3: memref<17072128xf32, #tpu.memory_space<hbm>>, %arg4: memref<2x16x16xf32, #tpu.memory_space<hbm>>, %arg5: memref<56x128xi32, #tpu.memory_space<vmem>>, %arg6: memref<56x128xf32, #tpu.memory_space<vmem>>, %arg7: memref<16xf32, #tpu.memory_space<vmem>>, %arg8: memref<!tpu.dma_semaphore, #tpu.memory_space<semaphore_mem>>, %arg9: memref<!tpu.dma_semaphore, #tpu.memory_space<semaphore_mem>>) attributes {dimension_semantics = [#tpu.dimension_semantics<core_parallel>, #tpu.dimension_semantics<subcore_parallel>], iteration_bounds = array<i64: 2, 16>, scalar_prefetch = 0 : i64, scratch_operands = 5 : i64, tpu.core_type = #tpu.core_type<sc_vector_subcore>, window_params = [{transform_indices = #map}, {transform_indices = #map1}, {transform_indices = #map2}]} {
    %mul3A = arith.constant 16 : i32
    %mul3A_0 = arith.muli %arg0, %mul3A : i32
    %add3A = arith.addi %mul3A_0, %arg1 : i32
    %mul3A_1 = arith.constant 56 : i32
    %mul3A_2 = arith.muli %add3A, %mul3A_1 : i32
    "tpu.region"() ({
      %run_scoped3A = tpu.sem_alloc : memref<!tpu.dma_semaphore, #tpu.memory_space<semaphore_mem>>
      %dma_start3A = arith.constant 0 : i32
      %dma_start3A_26 = tpu.memref_slice %arg2[%mul3A_2, %dma_start3A] : memref<1792x128xi32, #tpu.memory_space<hbm>> -> memref<56x128xi32, #tpu.memory_space<hbm>>
      %dma_start3A_27 = arith.constant 0 : i32
      %dma_start3A_28 = tpu.memref_slice %arg2[%mul3A_2, %dma_start3A_27] : memref<1792x128xi32, #tpu.memory_space<hbm>> -> memref<56x128xi32, #tpu.memory_space<hbm>>
      tpu.enqueue_dma source(%dma_start3A_28 : memref<56x128xi32, #tpu.memory_space<hbm>>) target(%arg5 : memref<56x128xi32, #tpu.memory_space<vmem>>) target_semaphore(%run_scoped3A : memref<!tpu.dma_semaphore, #tpu.memory_space<semaphore_mem>>)
      %dma_wait3A = arith.constant 0 : i32
      %dma_wait3A_29 = tpu.memref_slice %arg2[%mul3A_2, %dma_wait3A] : memref<1792x128xi32, #tpu.memory_space<hbm>> -> memref<56x128xi32, #tpu.memory_space<hbm>>
      %dma_wait3A_30 = arith.constant 0 : i32
      %dma_wait3A_31 = tpu.memref_slice %arg2[%mul3A_2, %dma_wait3A_30] : memref<1792x128xi32, #tpu.memory_space<hbm>> -> memref<56x128xi32, #tpu.memory_space<hbm>>
      tpu.wait_dma2 semaphore(%run_scoped3A : memref<!tpu.dma_semaphore, #tpu.memory_space<semaphore_mem>>) src(%dma_wait3A_31 : memref<56x128xi32, #tpu.memory_space<hbm>>) dst(%arg5 : memref<56x128xi32, #tpu.memory_space<vmem>>)
      tpu.yield
    }) : () -> ()
    %scan3A = arith.constant 0 : i32
    %scan3A_3 = arith.constant 0 : i32
    %scan3A_4 = arith.constant 56 : i32
    %scan3A_5 = arith.addi %scan3A_3, %scan3A_4 : i32
    %scan3A_6 = arith.constant 1 : i32
    %scan3A_7 = scf.for %scan3A_26 = %scan3A_3 to %scan3A_5 step %scan3A_6 iter_args(%scan3A_27 = %scan3A) -> (i32)  : i32 {
      %dma_start3A = arith.constant 0 : i32
      %dma_start3A_28 = tpu.memref_slice %arg6[%scan3A_26, %dma_start3A] : memref<56x128xf32, #tpu.memory_space<vmem>> -> memref<1x128xf32, #tpu.memory_space<vmem>>
      %dma_start3A_29 = tpu.memref_squeeze %dma_start3A_28 : memref<1x128xf32, #tpu.memory_space<vmem>> -> memref<128xf32, #tpu.memory_space<vmem>>
      %dma_start3A_30 = arith.constant 0 : i32
      %dma_start3A_31 = tpu.memref_slice %arg5[%scan3A_26, %dma_start3A_30] : memref<56x128xi32, #tpu.memory_space<vmem>> -> memref<1x128xi32, #tpu.memory_space<vmem>>
      %dma_start3A_32 = tpu.memref_squeeze %dma_start3A_31 : memref<1x128xi32, #tpu.memory_space<vmem>> -> memref<128xi32, #tpu.memory_space<vmem>>
      %dma_start3A_33 = arith.constant 0 : i32
      %dma_start3A_34 = tpu.memref_slice %arg3[%dma_start3A_33] : memref<17072128xf32, #tpu.memory_space<hbm>> -> memref<17072128xf32, #tpu.memory_space<hbm>>
      tpu.enqueue_indirect_dma source(%dma_start3A_34 : memref<17072128xf32, #tpu.memory_space<hbm>>) target(%dma_start3A_29 : memref<128xf32, #tpu.memory_space<vmem>>) offsets(%dma_start3A_32 : memref<128xi32, #tpu.memory_space<vmem>>) semaphore(%arg9 : memref<!tpu.dma_semaphore, #tpu.memory_space<semaphore_mem>>)
      %scan3A_35 = arith.constant 0 : i32
      scf.yield %scan3A_35 : i32
    }
    %scan3A_8 = arith.constant 56 : i32
    %scan3A_9 = arith.constant 0 : i32
    %scan3A_10 = arith.constant 0 : i32
    %scan3A_11 = arith.constant 56 : i32
    %scan3A_12 = arith.addi %scan3A_10, %scan3A_11 : i32
    %scan3A_13 = arith.constant 1 : i32
    %scan3A_14 = scf.for %scan3A_26 = %scan3A_10 to %scan3A_12 step %scan3A_13 iter_args(%scan3A_27 = %scan3A_9) -> (i32)  : i32 {
      %dma_wait3A = arith.constant 0 : i32
      %dma_wait3A_28 = tpu.memref_slice %arg6[%scan3A_26, %dma_wait3A] : memref<56x128xf32, #tpu.memory_space<vmem>> -> memref<1x128xf32, #tpu.memory_space<vmem>>
      %dma_wait3A_29 = tpu.memref_squeeze %dma_wait3A_28 : memref<1x128xf32, #tpu.memory_space<vmem>> -> memref<128xf32, #tpu.memory_space<vmem>>
      %dma_wait3A_30 = arith.constant 0 : i32
      %dma_wait3A_31 = tpu.memref_slice %arg5[%scan3A_26, %dma_wait3A_30] : memref<56x128xi32, #tpu.memory_space<vmem>> -> memref<1x128xi32, #tpu.memory_space<vmem>>
      %dma_wait3A_32 = tpu.memref_squeeze %dma_wait3A_31 : memref<1x128xi32, #tpu.memory_space<vmem>> -> memref<128xi32, #tpu.memory_space<vmem>>
      %dma_wait3A_33 = arith.constant 0 : i32
      %dma_wait3A_34 = tpu.memref_slice %arg3[%dma_wait3A_33] : memref<17072128xf32, #tpu.memory_space<hbm>> -> memref<17072128xf32, #tpu.memory_space<hbm>>
      tpu.wait_indirect_dma semaphore(%arg9 : memref<!tpu.dma_semaphore, #tpu.memory_space<semaphore_mem>>) src(%dma_wait3A_34 : memref<17072128xf32, #tpu.memory_space<hbm>>) dst(%dma_wait3A_29 : memref<128xf32, #tpu.memory_space<vmem>>)
      %scan3A_35 = arith.constant 0 : i32
      scf.yield %scan3A_35 : i32
    }
    %scan3A_15 = arith.constant 56 : i32
    %broadcast_in_dim3A = arith.constant 0.000000e+00 : f32
    %broadcast_in_dim3A_16 = vector.broadcast %broadcast_in_dim3A : f32 to vector<16xf32>
    %scan3A_17 = arith.constant 0 : i32
    %scan3A_18 = arith.constant 56 : i32
    %scan3A_19 = arith.addi %scan3A_17, %scan3A_18 : i32
    %scan3A_20 = arith.constant 1 : i32
    %scan3A_21 = scf.for %scan3A_26 = %scan3A_17 to %scan3A_19 step %scan3A_20 iter_args(%scan3A_27 = %broadcast_in_dim3A_16) -> (vector<16xf32>)  : i32 {
      %scan3A_28 = arith.constant 0 : i32
      %scan3A_29 = arith.constant 8 : i32
      %scan3A_30 = arith.addi %scan3A_28, %scan3A_29 : i32
      %scan3A_31 = arith.constant 1 : i32
      %scan3A_32 = scf.for %scan3A_34 = %scan3A_28 to %scan3A_30 step %scan3A_31 iter_args(%scan3A_35 = %scan3A_27) -> (vector<16xf32>)  : i32 {
        %mul3A_36 = arith.constant 16 : i32
        %mul3A_37 = arith.muli %scan3A_34, %mul3A_36 : i32
        %get3A = arith.constant 0 : i32
        %get3A_38 = tpu.memref_slice %arg6[%scan3A_26, %get3A] : memref<56x128xf32, #tpu.memory_space<vmem>> -> memref<1x128xf32, #tpu.memory_space<vmem>>
        %get3A_39 = tpu.memref_squeeze %get3A_38 : memref<1x128xf32, #tpu.memory_space<vmem>> -> memref<128xf32, #tpu.memory_space<vmem>>
        %get3A_40 = arith.index_cast %mul3A_37 : i32 to index
        %get3A_41 = tpu.vector_load %get3A_39[%get3A_40] {strides = array<i32>} : memref<128xf32, #tpu.memory_space<vmem>>, vector<16xf32>,
        %get3A_42 = vector.shape_cast %get3A_41 : vector<16xf32> to vector<16xf32>
        %add3A_43 = arith.addf %scan3A_35, %get3A_42 : vector<16xf32>
        scf.yield %add3A_43 : vector<16xf32>
      }
      %scan3A_33 = arith.constant 8 : i32
      scf.yield %scan3A_32 : vector<16xf32>
    }
    %scan3A_22 = arith.constant 56 : i32
    %swap3A = arith.constant 0 : index
    %swap3A_23 = tpu.vector_load %arg7[%swap3A] {strides = array<i32>} : memref<16xf32, #tpu.memory_space<vmem>>, vector<16xf32>,
    %swap3A_24 = vector.shape_cast %swap3A_23 : vector<16xf32> to vector<16xf32>
    %swap3A_25 = vector.shape_cast %scan3A_21 : vector<16xf32> to vector<16xf32>
    tpu.vector_store %arg7[%swap3A], %swap3A_25 {strides = array<i32>} : memref<16xf32, #tpu.memory_space<vmem>>, vector<16xf32>,
    "tpu.region"() ({
      %run_scoped3A = tpu.sem_alloc : memref<!tpu.dma_semaphore, #tpu.memory_space<semaphore_mem>>
      %dma_start3A = arith.constant 0 : i32
      %dma_start3A_26 = tpu.memref_slice %arg4[%arg0, %arg1, %dma_start3A] : memref<2x16x16xf32, #tpu.memory_space<hbm>> -> memref<1x1x16xf32, #tpu.memory_space<hbm>>
      %dma_start3A_27 = tpu.memref_squeeze %dma_start3A_26 : memref<1x1x16xf32, #tpu.memory_space<hbm>> -> memref<16xf32, #tpu.memory_space<hbm>>
      %dma_start3A_28 = arith.constant 0 : i32
      %dma_start3A_29 = tpu.memref_slice %arg4[%arg0, %arg1, %dma_start3A_28] : memref<2x16x16xf32, #tpu.memory_space<hbm>> -> memref<1x1x16xf32, #tpu.memory_space<hbm>>
      %dma_start3A_30 = tpu.memref_squeeze %dma_start3A_29 : memref<1x1x16xf32, #tpu.memory_space<hbm>> -> memref<16xf32, #tpu.memory_space<hbm>>
      tpu.enqueue_dma source(%arg7 : memref<16xf32, #tpu.memory_space<vmem>>) target(%dma_start3A_30 : memref<16xf32, #tpu.memory_space<hbm>>) target_semaphore(%run_scoped3A : memref<!tpu.dma_semaphore, #tpu.memory_space<semaphore_mem>>)
      %dma_wait3A = arith.constant 0 : i32
      %dma_wait3A_31 = tpu.memref_slice %arg4[%arg0, %arg1, %dma_wait3A] : memref<2x16x16xf32, #tpu.memory_space<hbm>> -> memref<1x1x16xf32, #tpu.memory_space<hbm>>
      %dma_wait3A_32 = tpu.memref_squeeze %dma_wait3A_31 : memref<1x1x16xf32, #tpu.memory_space<hbm>> -> memref<16xf32, #tpu.memory_space<hbm>>
      %dma_wait3A_33 = arith.constant 0 : i32
      %dma_wait3A_34 = tpu.memref_slice %arg4[%arg0, %arg1, %dma_wait3A_33] : memref<2x16x16xf32, #tpu.memory_space<hbm>> -> memref<1x1x16xf32, #tpu.memory_space<hbm>>
      %dma_wait3A_35 = tpu.memref_squeeze %dma_wait3A_34 : memref<1x1x16xf32, #tpu.memory_space<hbm>> -> memref<16xf32, #tpu.memory_space<hbm>>
      tpu.wait_dma2 semaphore(%run_scoped3A : memref<!tpu.dma_semaphore, #tpu.memory_space<semaphore_mem>>) src(%arg7 : memref<16xf32, #tpu.memory_space<vmem>>) dst(%dma_wait3A_35 : memref<16xf32, #tpu.memory_space<hbm>>)
      tpu.yield
    }) : () -> ()
    return
  }
}

module attributes {stable_mosaic.version = 14 : i64} {
  func.func @_codes_body(%arg0: memref<2048x128xi32, #tpu.memory_space<vmem>>, %arg1: memref<2048x128xi32, #tpu.memory_space<vmem>>, %arg2: memref<2048x128xf32, #tpu.memory_space<vmem>>, %arg3: memref<1792x128xi32, #tpu.memory_space<vmem>>, %arg4: memref<1792x128xi32, #tpu.memory_space<vmem>>, %arg5: memref<2048x128xi32, #tpu.memory_space<vmem>>, %arg6: memref<1792x128xi32, #tpu.memory_space<vmem>>) attributes {dimension_semantics = [], scalar_prefetch = 0 : i64, scratch_operands = 0 : i64, tpu.core_type = #tpu.core_type<tc>} {
    %get3A = arith.constant 0 : index
    %get3A_0 = arith.constant 0 : index
    %get3A_1 = vector.load %arg0[%get3A, %get3A_0] : memref<2048x128xi32, #tpu.memory_space<vmem>>, vector<2048x128xi32>
    %mul3A = arith.constant 4096 : i32
    %mul3A_2 = vector.broadcast %mul3A : i32 to vector<2048x128xi32>
    %mul3A_3 = arith.muli %get3A_1, %mul3A_2 : vector<2048x128xi32>
    %get3A_4 = arith.constant 0 : index
    %get3A_5 = arith.constant 0 : index
    %get3A_6 = vector.load %arg1[%get3A_4, %get3A_5] : memref<2048x128xi32, #tpu.memory_space<vmem>>, vector<2048x128xi32>
    %add3A = arith.addi %mul3A_3, %get3A_6 : vector<2048x128xi32>
    %get3A_7 = arith.constant 0 : index
    %get3A_8 = arith.constant 0 : index
    %get3A_9 = vector.load %arg2[%get3A_7, %get3A_8] : memref<2048x128xf32, #tpu.memory_space<vmem>>, vector<2048x128xf32>
    %gt3A = arith.constant 1.000000e-01 : f32
    %gt3A_10 = vector.broadcast %gt3A : f32 to vector<2048x128xf32>
    %gt3A_11 = arith.cmpf ogt, %get3A_9, %gt3A_10 : vector<2048x128xf32>
    %iota3A = tpu.iota {dimensions = array<i32: 0>} : vector<2048x128xi32>
    %iota3A_12 = tpu.iota {dimensions = array<i32: 1>} : vector<2048x128xi32>
    %mul3A_13 = arith.constant 128 : i32
    %mul3A_14 = vector.broadcast %mul3A_13 : i32 to vector<2048x128xi32>
    %mul3A_15 = arith.muli %iota3A, %mul3A_14 : vector<2048x128xi32>
    %add3A_16 = arith.addi %mul3A_15, %iota3A_12 : vector<2048x128xi32>
    %add3A_17 = arith.constant 16777216 : i32
    %add3A_18 = vector.broadcast %add3A_17 : i32 to vector<2048x128xi32>
    %add3A_19 = arith.addi %add3A_18, %add3A_16 : vector<2048x128xi32>
    %select_n3A = arith.select %gt3A_11, %add3A, %add3A_19 : vector<2048x128xi1>, vector<2048x128xi32>
    %swap3A = arith.constant 0 : index
    %swap3A_20 = arith.constant 0 : index
    %swap3A_21 = vector.load %arg5[%swap3A, %swap3A_20] : memref<2048x128xi32, #tpu.memory_space<vmem>>, vector<2048x128xi32>
    tpu.vector_store %arg5[%swap3A, %swap3A_20], %select_n3A {strides = array<i32>} : memref<2048x128xi32, #tpu.memory_space<vmem>>, vector<2048x128xi32>,
    %iota3A_22 = tpu.iota {dimensions = array<i32: 0>} : vector<1792x128xi32>
    %iota3A_23 = tpu.iota {dimensions = array<i32: 1>} : vector<1792x128xi32>
    %mul3A_24 = arith.constant 128 : i32
    %mul3A_25 = vector.broadcast %mul3A_24 : i32 to vector<1792x128xi32>
    %mul3A_26 = arith.muli %iota3A_22, %mul3A_25 : vector<1792x128xi32>
    %add3A_27 = arith.addi %mul3A_26, %iota3A_23 : vector<1792x128xi32>
    %lt3A = arith.constant 200000 : i32
    %lt3A_28 = vector.broadcast %lt3A : i32 to vector<1792x128xi32>
    %lt3A_29 = arith.cmpi slt, %add3A_27, %lt3A_28 : vector<1792x128xi32>
    %get3A_30 = arith.constant 0 : index
    %get3A_31 = arith.constant 0 : index
    %get3A_32 = vector.load %arg3[%get3A_30, %get3A_31] : memref<1792x128xi32, #tpu.memory_space<vmem>>, vector<1792x128xi32>
    %mul3A_33 = arith.constant 4096 : i32
    %mul3A_34 = vector.broadcast %mul3A_33 : i32 to vector<1792x128xi32>
    %mul3A_35 = arith.muli %get3A_32, %mul3A_34 : vector<1792x128xi32>
    %get3A_36 = arith.constant 0 : index
    %get3A_37 = arith.constant 0 : index
    %get3A_38 = vector.load %arg4[%get3A_36, %get3A_37] : memref<1792x128xi32, #tpu.memory_space<vmem>>, vector<1792x128xi32>
    %add3A_39 = arith.addi %mul3A_35, %get3A_38 : vector<1792x128xi32>
    %and3A = arith.constant 32767 : i32
    %and3A_40 = vector.broadcast %and3A : i32 to vector<1792x128xi32>
    %and3A_41 = arith.andi %add3A_27, %and3A_40 : vector<1792x128xi32>
    %add3A_42 = arith.constant 17039360 : i32
    %add3A_43 = vector.broadcast %add3A_42 : i32 to vector<1792x128xi32>
    %add3A_44 = arith.addi %add3A_43, %and3A_41 : vector<1792x128xi32>
    %select_n3A_45 = arith.select %lt3A_29, %add3A_39, %add3A_44 : vector<1792x128xi1>, vector<1792x128xi32>
    %swap3A_46 = arith.constant 0 : index
    %swap3A_47 = arith.constant 0 : index
    %swap3A_48 = vector.load %arg6[%swap3A_46, %swap3A_47] : memref<1792x128xi32, #tpu.memory_space<vmem>>, vector<1792x128xi32>
    tpu.vector_store %arg6[%swap3A_46, %swap3A_47], %select_n3A_45 {strides = array<i32>} : memref<1792x128xi32, #tpu.memory_space<vmem>>, vector<1792x128xi32>,
    return
  }
}

module attributes {stable_mosaic.version = 14 : i64} {
  func.func @_stream_body(%arg0: i32, %arg1: memref<3x8192xf32, #tpu.memory_space<vmem>>, %arg2: memref<3x8192xf32, #tpu.memory_space<vmem>>, %arg3: memref<3x8192xf32, #tpu.memory_space<vmem>>, %arg4: memref<4x4xf32, #tpu.memory_space<vmem>>, %arg5: memref<4x4xf32, #tpu.memory_space<vmem>>, %arg6: memref<1x128xf32, #tpu.memory_space<vmem>>) attributes {dimension_semantics = [#tpu.dimension_semantics<arbitrary>], iteration_bounds = array<i64: 62>, scalar_prefetch = 0 : i64, scratch_operands = 0 : i64, tpu.core_type = #tpu.core_type<tc>, window_params = [{transform_indices = @transform_0, window_bounds = array<i64: 3, 8192>}, {transform_indices = @transform_1, window_bounds = array<i64: 3, 8192>}, {transform_indices = @transform_2, window_bounds = array<i64: 3, 8192>}, {pipeline_mode = #tpu.pipeline_mode<synchronous>, transform_indices = @transform_3, window_bounds = array<i64: 4, 4>}, {pipeline_mode = #tpu.pipeline_mode<synchronous>, transform_indices = @transform_4, window_bounds = array<i64: 4, 4>}, {pipeline_mode = #tpu.pipeline_mode<synchronous>, transform_indices = @transform_5, window_bounds = array<i64: 1, 128>}]} {
    %eq3A = arith.constant 0 : i32
    %eq3A_0 = arith.cmpi eq, %arg0, %eq3A : i32
    %convert_element_type3A = arith.extui %eq3A_0 : i1 to i32
    %cond3A = arith.constant 0 : i32
    %cond3A_1 = arith.cmpi ne, %convert_element_type3A, %cond3A : i32
    scf.if %cond3A_1 {
      %broadcast_in_dim3A_198 = arith.constant 0.000000e+00 : f32
      %broadcast_in_dim3A_199 = vector.broadcast %broadcast_in_dim3A_198 : f32 to vector<1x128xf32>
      %swap3A_200 = arith.constant 0 : index
      %swap3A_201 = arith.constant 0 : index
      %swap3A_202 = vector.load %arg6[%swap3A_200, %swap3A_201] : memref<1x128xf32, #tpu.memory_space<vmem>>, vector<1x128xf32>
      tpu.vector_store %arg6[%swap3A_200, %swap3A_201], %broadcast_in_dim3A_199 {strides = array<i32>} : memref<1x128xf32, #tpu.memory_space<vmem>>, vector<1x128xf32>,
    } else {
    }
    %get3A = arith.constant 0 : index
    %get3A_2 = arith.constant 0 : index
    %get3A_3 = vector.load %arg4[%get3A, %get3A_2] : memref<4x4xf32, #tpu.memory_space<vmem>>, vector<4x4xf32>
    %get3A_4 = arith.constant 0 : index
    %get3A_5 = arith.constant 0 : index
    %get3A_6 = vector.load %arg5[%get3A_4, %get3A_5] : memref<4x4xf32, #tpu.memory_space<vmem>>, vector<4x4xf32>
    %mul3A = arith.constant 8192 : i32
    %mul3A_7 = arith.muli %arg0, %mul3A : i32
    %iota3A = tpu.iota {dimensions = array<i32: 1>} : vector<1x8192xi32>
    %add3A = vector.broadcast %mul3A_7 : i32 to vector<1x8192xi32>
    %add3A_8 = arith.addi %add3A, %iota3A : vector<1x8192xi32>
    %lt3A = arith.constant 500000 : i32
    %lt3A_9 = vector.broadcast %lt3A : i32 to vector<1x8192xi32>
    %lt3A_10 = arith.cmpi slt, %add3A_8, %lt3A_9 : vector<1x8192xi32>
    %get3A_11 = arith.constant 0 : index
    %get3A_12 = arith.constant 0 : index
    %get3A_13 = vector.load %arg2[%get3A_11, %get3A_12] : memref<3x8192xf32, #tpu.memory_space<vmem>>, vector<1x8192xf32>
    %get3A_14 = arith.constant 1 : index
    %get3A_15 = arith.constant 0 : index
    %get3A_16 = vector.load %arg2[%get3A_14, %get3A_15] : memref<3x8192xf32, #tpu.memory_space<vmem>>, vector<1x8192xf32>
    %get3A_17 = arith.constant 2 : index
    %get3A_18 = arith.constant 0 : index
    %get3A_19 = vector.load %arg2[%get3A_17, %get3A_18] : memref<3x8192xf32, #tpu.memory_space<vmem>>, vector<1x8192xf32>
    %get3A_20 = arith.constant 0 : index
    %get3A_21 = arith.constant 0 : index
    %get3A_22 = vector.load %arg1[%get3A_20, %get3A_21] : memref<3x8192xf32, #tpu.memory_space<vmem>>, vector<1x8192xf32>
    %slice3A = vector.extract_strided_slice %get3A_3 {offsets = [0, 0], sizes = [1, 1], strides = [1, 1]} : vector<4x4xf32> to vector<1x1xf32>
    %squeeze3A = vector.extract %slice3A[0, 0] : f32 from vector<1x1xf32>
    %mul3A_23 = vector.broadcast %squeeze3A : f32 to vector<1x8192xf32>
    %mul3A_24 = arith.mulf %mul3A_23, %get3A_13 : vector<1x8192xf32>
    %slice3A_25 = vector.extract_strided_slice %get3A_3 {offsets = [0, 1], sizes = [1, 1], strides = [1, 1]} : vector<4x4xf32> to vector<1x1xf32>
    %squeeze3A_26 = vector.extract %slice3A_25[0, 0] : f32 from vector<1x1xf32>
    %mul3A_27 = vector.broadcast %squeeze3A_26 : f32 to vector<1x8192xf32>
    %mul3A_28 = arith.mulf %mul3A_27, %get3A_16 : vector<1x8192xf32>
    %add3A_29 = arith.addf %mul3A_24, %mul3A_28 : vector<1x8192xf32>
    %slice3A_30 = vector.extract_strided_slice %get3A_3 {offsets = [0, 2], sizes = [1, 1], strides = [1, 1]} : vector<4x4xf32> to vector<1x1xf32>
    %squeeze3A_31 = vector.extract %slice3A_30[0, 0] : f32 from vector<1x1xf32>
    %mul3A_32 = vector.broadcast %squeeze3A_31 : f32 to vector<1x8192xf32>
    %mul3A_33 = arith.mulf %mul3A_32, %get3A_19 : vector<1x8192xf32>
    %add3A_34 = arith.addf %add3A_29, %mul3A_33 : vector<1x8192xf32>
    %slice3A_35 = vector.extract_strided_slice %get3A_3 {offsets = [0, 3], sizes = [1, 1], strides = [1, 1]} : vector<4x4xf32> to vector<1x1xf32>
    %squeeze3A_36 = vector.extract %slice3A_35[0, 0] : f32 from vector<1x1xf32>
    %add3A_37 = vector.broadcast %squeeze3A_36 : f32 to vector<1x8192xf32>
    %add3A_38 = arith.addf %add3A_34, %add3A_37 : vector<1x8192xf32>
    %sub3A = arith.subf %get3A_22, %add3A_38 : vector<1x8192xf32>
    %get3A_39 = arith.constant 1 : index
    %get3A_40 = arith.constant 0 : index
    %get3A_41 = vector.load %arg1[%get3A_39, %get3A_40] : memref<3x8192xf32, #tpu.memory_space<vmem>>, vector<1x8192xf32>
    %slice3A_42 = vector.extract_strided_slice %get3A_3 {offsets = [1, 0], sizes = [1, 1], strides = [1, 1]} : vector<4x4xf32> to vector<1x1xf32>
    %squeeze3A_43 = vector.extract %slice3A_42[0, 0] : f32 from vector<1x1xf32>
    %mul3A_44 = vector.broadcast %squeeze3A_43 : f32 to vector<1x8192xf32>
    %mul3A_45 = arith.mulf %mul3A_44, %get3A_13 : vector<1x8192xf32>
    %slice3A_46 = vector.extract_strided_slice %get3A_3 {offsets = [1, 1], sizes = [1, 1], strides = [1, 1]} : vector<4x4xf32> to vector<1x1xf32>
    %squeeze3A_47 = vector.extract %slice3A_46[0, 0] : f32 from vector<1x1xf32>
    %mul3A_48 = vector.broadcast %squeeze3A_47 : f32 to vector<1x8192xf32>
    %mul3A_49 = arith.mulf %mul3A_48, %get3A_16 : vector<1x8192xf32>
    %add3A_50 = arith.addf %mul3A_45, %mul3A_49 : vector<1x8192xf32>
    %slice3A_51 = vector.extract_strided_slice %get3A_3 {offsets = [1, 2], sizes = [1, 1], strides = [1, 1]} : vector<4x4xf32> to vector<1x1xf32>
    %squeeze3A_52 = vector.extract %slice3A_51[0, 0] : f32 from vector<1x1xf32>
    %mul3A_53 = vector.broadcast %squeeze3A_52 : f32 to vector<1x8192xf32>
    %mul3A_54 = arith.mulf %mul3A_53, %get3A_19 : vector<1x8192xf32>
    %add3A_55 = arith.addf %add3A_50, %mul3A_54 : vector<1x8192xf32>
    %slice3A_56 = vector.extract_strided_slice %get3A_3 {offsets = [1, 3], sizes = [1, 1], strides = [1, 1]} : vector<4x4xf32> to vector<1x1xf32>
    %squeeze3A_57 = vector.extract %slice3A_56[0, 0] : f32 from vector<1x1xf32>
    %add3A_58 = vector.broadcast %squeeze3A_57 : f32 to vector<1x8192xf32>
    %add3A_59 = arith.addf %add3A_55, %add3A_58 : vector<1x8192xf32>
    %sub3A_60 = arith.subf %get3A_41, %add3A_59 : vector<1x8192xf32>
    %get3A_61 = arith.constant 2 : index
    %get3A_62 = arith.constant 0 : index
    %get3A_63 = vector.load %arg1[%get3A_61, %get3A_62] : memref<3x8192xf32, #tpu.memory_space<vmem>>, vector<1x8192xf32>
    %slice3A_64 = vector.extract_strided_slice %get3A_3 {offsets = [2, 0], sizes = [1, 1], strides = [1, 1]} : vector<4x4xf32> to vector<1x1xf32>
    %squeeze3A_65 = vector.extract %slice3A_64[0, 0] : f32 from vector<1x1xf32>
    %mul3A_66 = vector.broadcast %squeeze3A_65 : f32 to vector<1x8192xf32>
    %mul3A_67 = arith.mulf %mul3A_66, %get3A_13 : vector<1x8192xf32>
    %slice3A_68 = vector.extract_strided_slice %get3A_3 {offsets = [2, 1], sizes = [1, 1], strides = [1, 1]} : vector<4x4xf32> to vector<1x1xf32>
    %squeeze3A_69 = vector.extract %slice3A_68[0, 0] : f32 from vector<1x1xf32>
    %mul3A_70 = vector.broadcast %squeeze3A_69 : f32 to vector<1x8192xf32>
    %mul3A_71 = arith.mulf %mul3A_70, %get3A_16 : vector<1x8192xf32>
    %add3A_72 = arith.addf %mul3A_67, %mul3A_71 : vector<1x8192xf32>
    %slice3A_73 = vector.extract_strided_slice %get3A_3 {offsets = [2, 2], sizes = [1, 1], strides = [1, 1]} : vector<4x4xf32> to vector<1x1xf32>
    %squeeze3A_74 = vector.extract %slice3A_73[0, 0] : f32 from vector<1x1xf32>
    %mul3A_75 = vector.broadcast %squeeze3A_74 : f32 to vector<1x8192xf32>
    %mul3A_76 = arith.mulf %mul3A_75, %get3A_19 : vector<1x8192xf32>
    %add3A_77 = arith.addf %add3A_72, %mul3A_76 : vector<1x8192xf32>
    %slice3A_78 = vector.extract_strided_slice %get3A_3 {offsets = [2, 3], sizes = [1, 1], strides = [1, 1]} : vector<4x4xf32> to vector<1x1xf32>
    %squeeze3A_79 = vector.extract %slice3A_78[0, 0] : f32 from vector<1x1xf32>
    %add3A_80 = vector.broadcast %squeeze3A_79 : f32 to vector<1x8192xf32>
    %add3A_81 = arith.addf %add3A_77, %add3A_80 : vector<1x8192xf32>
    %sub3A_82 = arith.subf %get3A_63, %add3A_81 : vector<1x8192xf32>
    %mul3A_83 = arith.mulf %sub3A, %sub3A : vector<1x8192xf32>
    %mul3A_84 = arith.mulf %sub3A_60, %sub3A_60 : vector<1x8192xf32>
    %add3A_85 = arith.addf %mul3A_83, %mul3A_84 : vector<1x8192xf32>
    %mul3A_86 = arith.mulf %sub3A_82, %sub3A_82 : vector<1x8192xf32>
    %add3A_87 = arith.addf %add3A_85, %mul3A_86 : vector<1x8192xf32>
    %lt3A_88 = arith.constant 0.00999999977 : f32
    %lt3A_89 = vector.broadcast %lt3A_88 : f32 to vector<1x8192xf32>
    %lt3A_90 = arith.cmpf olt, %add3A_87, %lt3A_89 : vector<1x8192xf32>
    %and3A = arith.andi %lt3A_10, %lt3A_90 : vector<1x8192xi1>
    %jit3A = arith.constant 1.000000e+00 : f32
    %jit3A_91 = arith.constant 0.000000e+00 : f32
    %broadcast_in_dim3A = vector.broadcast %jit3A : f32 to vector<1x8192xf32>
    %broadcast_in_dim3A_92 = vector.broadcast %jit3A_91 : f32 to vector<1x8192xf32>
    %select_n3A = arith.select %and3A, %broadcast_in_dim3A, %broadcast_in_dim3A_92 : vector<1x8192xi1>, vector<1x8192xf32>
    %reduce_sum3A = vector.shape_cast %select_n3A : vector<1x8192xf32> to vector<1x1x8192xf32>
    %reduce_sum3A_93 = arith.constant dense<0.000000e+00> : vector<1xf32>
    %reduce_sum3A_94 = vector.multi_reduction <add>, %reduce_sum3A, %reduce_sum3A_93 [1, 2] : vector<1x1x8192xf32> to vector<1xf32>
    %reduce_sum3A_95 = vector.shape_cast %reduce_sum3A_94 : vector<1xf32> to vector<1x1x1xf32>
    %reduce_sum3A_96 = vector.extract %reduce_sum3A_95[0, 0, 0] : f32 from vector<1x1x1xf32>
    %get3A_97 = arith.constant 0 : index
    %get3A_98 = arith.constant 0 : index
    %get3A_99 = vector.load %arg3[%get3A_97, %get3A_98] : memref<3x8192xf32, #tpu.memory_space<vmem>>, vector<1x8192xf32>
    %get3A_100 = arith.constant 1 : index
    %get3A_101 = arith.constant 0 : index
    %get3A_102 = vector.load %arg3[%get3A_100, %get3A_101] : memref<3x8192xf32, #tpu.memory_space<vmem>>, vector<1x8192xf32>
    %get3A_103 = arith.constant 2 : index
    %get3A_104 = arith.constant 0 : index
    %get3A_105 = vector.load %arg3[%get3A_103, %get3A_104] : memref<3x8192xf32, #tpu.memory_space<vmem>>, vector<1x8192xf32>
    %slice3A_106 = vector.extract_strided_slice %get3A_6 {offsets = [0, 0], sizes = [1, 1], strides = [1, 1]} : vector<4x4xf32> to vector<1x1xf32>
    %squeeze3A_107 = vector.extract %slice3A_106[0, 0] : f32 from vector<1x1xf32>
    %mul3A_108 = vector.broadcast %squeeze3A_107 : f32 to vector<1x8192xf32>
    %mul3A_109 = arith.mulf %mul3A_108, %get3A_99 : vector<1x8192xf32>
    %slice3A_110 = vector.extract_strided_slice %get3A_6 {offsets = [0, 1], sizes = [1, 1], strides = [1, 1]} : vector<4x4xf32> to vector<1x1xf32>
    %squeeze3A_111 = vector.extract %slice3A_110[0, 0] : f32 from vector<1x1xf32>
    %mul3A_112 = vector.broadcast %squeeze3A_111 : f32 to vector<1x8192xf32>
    %mul3A_113 = arith.mulf %mul3A_112, %get3A_102 : vector<1x8192xf32>
    %add3A_114 = arith.addf %mul3A_109, %mul3A_113 : vector<1x8192xf32>
    %slice3A_115 = vector.extract_strided_slice %get3A_6 {offsets = [0, 2], sizes = [1, 1], strides = [1, 1]} : vector<4x4xf32> to vector<1x1xf32>
    %squeeze3A_116 = vector.extract %slice3A_115[0, 0] : f32 from vector<1x1xf32>
    %mul3A_117 = vector.broadcast %squeeze3A_116 : f32 to vector<1x8192xf32>
    %mul3A_118 = arith.mulf %mul3A_117, %get3A_105 : vector<1x8192xf32>
    %add3A_119 = arith.addf %add3A_114, %mul3A_118 : vector<1x8192xf32>
    %slice3A_120 = vector.extract_strided_slice %get3A_6 {offsets = [0, 3], sizes = [1, 1], strides = [1, 1]} : vector<4x4xf32> to vector<1x1xf32>
    %squeeze3A_121 = vector.extract %slice3A_120[0, 0] : f32 from vector<1x1xf32>
    %add3A_122 = vector.broadcast %squeeze3A_121 : f32 to vector<1x8192xf32>
    %add3A_123 = arith.addf %add3A_119, %add3A_122 : vector<1x8192xf32>
    %sub3A_124 = arith.subf %add3A_123, %get3A_99 : vector<1x8192xf32>
    %slice3A_125 = vector.extract_strided_slice %get3A_6 {offsets = [1, 0], sizes = [1, 1], strides = [1, 1]} : vector<4x4xf32> to vector<1x1xf32>
    %squeeze3A_126 = vector.extract %slice3A_125[0, 0] : f32 from vector<1x1xf32>
    %mul3A_127 = vector.broadcast %squeeze3A_126 : f32 to vector<1x8192xf32>
    %mul3A_128 = arith.mulf %mul3A_127, %get3A_99 : vector<1x8192xf32>
    %slice3A_129 = vector.extract_strided_slice %get3A_6 {offsets = [1, 1], sizes = [1, 1], strides = [1, 1]} : vector<4x4xf32> to vector<1x1xf32>
    %squeeze3A_130 = vector.extract %slice3A_129[0, 0] : f32 from vector<1x1xf32>
    %mul3A_131 = vector.broadcast %squeeze3A_130 : f32 to vector<1x8192xf32>
    %mul3A_132 = arith.mulf %mul3A_131, %get3A_102 : vector<1x8192xf32>
    %add3A_133 = arith.addf %mul3A_128, %mul3A_132 : vector<1x8192xf32>
    %slice3A_134 = vector.extract_strided_slice %get3A_6 {offsets = [1, 2], sizes = [1, 1], strides = [1, 1]} : vector<4x4xf32> to vector<1x1xf32>
    %squeeze3A_135 = vector.extract %slice3A_134[0, 0] : f32 from vector<1x1xf32>
    %mul3A_136 = vector.broadcast %squeeze3A_135 : f32 to vector<1x8192xf32>
    %mul3A_137 = arith.mulf %mul3A_136, %get3A_105 : vector<1x8192xf32>
    %add3A_138 = arith.addf %add3A_133, %mul3A_137 : vector<1x8192xf32>
    %slice3A_139 = vector.extract_strided_slice %get3A_6 {offsets = [1, 3], sizes = [1, 1], strides = [1, 1]} : vector<4x4xf32> to vector<1x1xf32>
    %squeeze3A_140 = vector.extract %slice3A_139[0, 0] : f32 from vector<1x1xf32>
    %add3A_141 = vector.broadcast %squeeze3A_140 : f32 to vector<1x8192xf32>
    %add3A_142 = arith.addf %add3A_138, %add3A_141 : vector<1x8192xf32>
    %sub3A_143 = arith.subf %add3A_142, %get3A_102 : vector<1x8192xf32>
    %slice3A_144 = vector.extract_strided_slice %get3A_6 {offsets = [2, 0], sizes = [1, 1], strides = [1, 1]} : vector<4x4xf32> to vector<1x1xf32>
    %squeeze3A_145 = vector.extract %slice3A_144[0, 0] : f32 from vector<1x1xf32>
    %mul3A_146 = vector.broadcast %squeeze3A_145 : f32 to vector<1x8192xf32>
    %mul3A_147 = arith.mulf %mul3A_146, %get3A_99 : vector<1x8192xf32>
    %slice3A_148 = vector.extract_strided_slice %get3A_6 {offsets = [2, 1], sizes = [1, 1], strides = [1, 1]} : vector<4x4xf32> to vector<1x1xf32>
    %squeeze3A_149 = vector.extract %slice3A_148[0, 0] : f32 from vector<1x1xf32>
    %mul3A_150 = vector.broadcast %squeeze3A_149 : f32 to vector<1x8192xf32>
    %mul3A_151 = arith.mulf %mul3A_150, %get3A_102 : vector<1x8192xf32>
    %add3A_152 = arith.addf %mul3A_147, %mul3A_151 : vector<1x8192xf32>
    %slice3A_153 = vector.extract_strided_slice %get3A_6 {offsets = [2, 2], sizes = [1, 1], strides = [1, 1]} : vector<4x4xf32> to vector<1x1xf32>
    %squeeze3A_154 = vector.extract %slice3A_153[0, 0] : f32 from vector<1x1xf32>
    %mul3A_155 = vector.broadcast %squeeze3A_154 : f32 to vector<1x8192xf32>
    %mul3A_156 = arith.mulf %mul3A_155, %get3A_105 : vector<1x8192xf32>
    %add3A_157 = arith.addf %add3A_152, %mul3A_156 : vector<1x8192xf32>
    %slice3A_158 = vector.extract_strided_slice %get3A_6 {offsets = [2, 3], sizes = [1, 1], strides = [1, 1]} : vector<4x4xf32> to vector<1x1xf32>
    %squeeze3A_159 = vector.extract %slice3A_158[0, 0] : f32 from vector<1x1xf32>
    %add3A_160 = vector.broadcast %squeeze3A_159 : f32 to vector<1x8192xf32>
    %add3A_161 = arith.addf %add3A_157, %add3A_160 : vector<1x8192xf32>
    %sub3A_162 = arith.subf %add3A_161, %get3A_105 : vector<1x8192xf32>
    %mul3A_163 = arith.mulf %sub3A_124, %sub3A_124 : vector<1x8192xf32>
    %mul3A_164 = arith.mulf %sub3A_143, %sub3A_143 : vector<1x8192xf32>
    %add3A_165 = arith.addf %mul3A_163, %mul3A_164 : vector<1x8192xf32>
    %mul3A_166 = arith.mulf %sub3A_162, %sub3A_162 : vector<1x8192xf32>
    %add3A_167 = arith.addf %add3A_165, %mul3A_166 : vector<1x8192xf32>
    %sqrt3A = math.sqrt %add3A_167 : vector<1x8192xf32>
    %jit3A_168 = arith.constant 0.000000e+00 : f32
    %broadcast_in_dim3A_169 = vector.broadcast %jit3A_168 : f32 to vector<1x8192xf32>
    %select_n3A_170 = arith.select %lt3A_10, %sqrt3A, %broadcast_in_dim3A_169 : vector<1x8192xi1>, vector<1x8192xf32>
    %reduce_sum3A_171 = vector.shape_cast %select_n3A_170 : vector<1x8192xf32> to vector<1x1x8192xf32>
    %reduce_sum3A_172 = arith.constant dense<0.000000e+00> : vector<1xf32>
    %reduce_sum3A_173 = vector.multi_reduction <add>, %reduce_sum3A_171, %reduce_sum3A_172 [1, 2] : vector<1x1x8192xf32> to vector<1xf32>
    %reduce_sum3A_174 = vector.shape_cast %reduce_sum3A_173 : vector<1xf32> to vector<1x1x1xf32>
    %reduce_sum3A_175 = vector.extract %reduce_sum3A_174[0, 0, 0] : f32 from vector<1x1x1xf32>
    %iota3A_176 = tpu.iota {dimensions = array<i32: 1>} : vector<1x128xi32>
    %get3A_177 = arith.constant 0 : index
    %get3A_178 = arith.constant 0 : index
    %get3A_179 = vector.load %arg6[%get3A_177, %get3A_178] : memref<1x128xf32, #tpu.memory_space<vmem>>, vector<1x128xf32>
    %eq3A_180 = arith.constant 0 : i32
    %eq3A_181 = vector.broadcast %eq3A_180 : i32 to vector<1x128xi32>
    %eq3A_182 = arith.cmpi eq, %iota3A_176, %eq3A_181 : vector<1x128xi32>
    %jit3A_183 = arith.constant 0.000000e+00 : f32
    %broadcast_in_dim3A_184 = vector.broadcast %reduce_sum3A_96 : f32 to vector<1x128xf32>
    %broadcast_in_dim3A_185 = vector.broadcast %jit3A_183 : f32 to vector<1x128xf32>
    %select_n3A_186 = arith.select %eq3A_182, %broadcast_in_dim3A_184, %broadcast_in_dim3A_185 : vector<1x128xi1>, vector<1x128xf32>
    %eq3A_187 = arith.constant 1 : i32
    %eq3A_188 = vector.broadcast %eq3A_187 : i32 to vector<1x128xi32>
    %eq3A_189 = arith.cmpi eq, %iota3A_176, %eq3A_188 : vector<1x128xi32>
    %jit3A_190 = arith.constant 0.000000e+00 : f32
    %broadcast_in_dim3A_191 = vector.broadcast %reduce_sum3A_175 : f32 to vector<1x128xf32>
    %broadcast_in_dim3A_192 = vector.broadcast %jit3A_190 : f32 to vector<1x128xf32>
    %select_n3A_193 = arith.select %eq3A_189, %broadcast_in_dim3A_191, %broadcast_in_dim3A_192 : vector<1x128xi1>, vector<1x128xf32>
    %add3A_194 = arith.addf %select_n3A_186, %select_n3A_193 : vector<1x128xf32>
    %add3A_195 = arith.addf %get3A_179, %add3A_194 : vector<1x128xf32>
    %swap3A = arith.constant 0 : index
    %swap3A_196 = arith.constant 0 : index
    %swap3A_197 = vector.load %arg6[%swap3A, %swap3A_196] : memref<1x128xf32, #tpu.memory_space<vmem>>, vector<1x128xf32>
    tpu.vector_store %arg6[%swap3A, %swap3A_196], %add3A_195 {strides = array<i32>} : memref<1x128xf32, #tpu.memory_space<vmem>>, vector<1x128xf32>,
    return
  }
  func.func @transform_0(%arg0: i32) -> (i32, i32) {
    %c0_i32 = arith.constant 0 : i32
    %c0_i32_0 = arith.constant 0 : i32
    return %c0_i32, %arg0 : i32, i32
  }
  func.func @transform_1(%arg0: i32) -> (i32, i32) {
    %c0_i32 = arith.constant 0 : i32
    %c0_i32_0 = arith.constant 0 : i32
    return %c0_i32, %arg0 : i32, i32
  }
  func.func @transform_2(%arg0: i32) -> (i32, i32) {
    %c0_i32 = arith.constant 0 : i32
    %c0_i32_0 = arith.constant 0 : i32
    return %c0_i32, %arg0 : i32, i32
  }
  func.func @transform_3(%arg0: i32) -> (i32, i32) {
    %c0_i32 = arith.constant 0 : i32
    %c0_i32_0 = arith.constant 0 : i32
    %c0_i32_1 = arith.constant 0 : i32
    return %c0_i32, %c0_i32_0 : i32, i32
  }
  func.func @transform_4(%arg0: i32) -> (i32, i32) {
    %c0_i32 = arith.constant 0 : i32
    %c0_i32_0 = arith.constant 0 : i32
    %c0_i32_1 = arith.constant 0 : i32
    return %c0_i32, %c0_i32_0 : i32, i32
  }
  func.func @transform_5(%arg0: i32) -> (i32, i32) {
    %c0_i32 = arith.constant 0 : i32
    %c0_i32_0 = arith.constant 0 : i32
    %c0_i32_1 = arith.constant 0 : i32
    return %c0_i32, %c0_i32_0 : i32, i32
  }
}

module attributes {stable_mosaic.version = 14 : i64} {
  func.func @_final_body(%arg0: memref<1x128xf32, #tpu.memory_space<vmem>>, %arg1: memref<2x16x16xf32, #tpu.memory_space<vmem>>, %arg2: memref<4x4xf32, #tpu.memory_space<vmem>>, %arg3: memref<4x4xf32, #tpu.memory_space<vmem>>, %arg4: memref<1x128xf32, #tpu.memory_space<vmem>>) attributes {dimension_semantics = [], scalar_prefetch = 0 : i64, scratch_operands = 0 : i64, tpu.core_type = #tpu.core_type<tc>} {
    %get3A = arith.constant 0 : index
    %get3A_0 = arith.constant 0 : index
    %get3A_1 = vector.load %arg0[%get3A, %get3A_0] : memref<1x128xf32, #tpu.memory_space<vmem>>, vector<1x128xf32>
    %iota3A = tpu.iota {dimensions = array<i32: 1>} : vector<1x128xi32>
    %eq3A = arith.constant 0 : i32
    %eq3A_2 = vector.broadcast %eq3A : i32 to vector<1x128xi32>
    %eq3A_3 = arith.cmpi eq, %iota3A, %eq3A_2 : vector<1x128xi32>
    %jit3A = arith.constant 0.000000e+00 : f32
    %broadcast_in_dim3A = vector.broadcast %jit3A : f32 to vector<1x128xf32>
    %select_n3A = arith.select %eq3A_3, %get3A_1, %broadcast_in_dim3A : vector<1x128xi1>, vector<1x128xf32>
    %reduce_sum3A = vector.shape_cast %select_n3A : vector<1x128xf32> to vector<1x1x128xf32>
    %reduce_sum3A_4 = arith.constant dense<0.000000e+00> : vector<1xf32>
    %reduce_sum3A_5 = vector.multi_reduction <add>, %reduce_sum3A, %reduce_sum3A_4 [1, 2] : vector<1x1x128xf32> to vector<1xf32>
    %reduce_sum3A_6 = vector.shape_cast %reduce_sum3A_5 : vector<1xf32> to vector<1x1x1xf32>
    %reduce_sum3A_7 = vector.extract %reduce_sum3A_6[0, 0, 0] : f32 from vector<1x1x1xf32>
    %eq3A_8 = arith.constant 1 : i32
    %eq3A_9 = vector.broadcast %eq3A_8 : i32 to vector<1x128xi32>
    %eq3A_10 = arith.cmpi eq, %iota3A, %eq3A_9 : vector<1x128xi32>
    %jit3A_11 = arith.constant 0.000000e+00 : f32
    %broadcast_in_dim3A_12 = vector.broadcast %jit3A_11 : f32 to vector<1x128xf32>
    %select_n3A_13 = arith.select %eq3A_10, %get3A_1, %broadcast_in_dim3A_12 : vector<1x128xi1>, vector<1x128xf32>
    %reduce_sum3A_14 = vector.shape_cast %select_n3A_13 : vector<1x128xf32> to vector<1x1x128xf32>
    %reduce_sum3A_15 = arith.constant dense<0.000000e+00> : vector<1xf32>
    %reduce_sum3A_16 = vector.multi_reduction <add>, %reduce_sum3A_14, %reduce_sum3A_15 [1, 2] : vector<1x1x128xf32> to vector<1xf32>
    %reduce_sum3A_17 = vector.shape_cast %reduce_sum3A_16 : vector<1xf32> to vector<1x1x1xf32>
    %reduce_sum3A_18 = vector.extract %reduce_sum3A_17[0, 0, 0] : f32 from vector<1x1x1xf32>
    %div3A = arith.constant 5.000000e+05 : f32
    %div3A_19 = arith.divf %reduce_sum3A_7, %div3A : f32
    %div3A_20 = arith.constant 5.000000e+05 : f32
    %div3A_21 = arith.divf %reduce_sum3A_18, %div3A_20 : f32
    %lt3A = arith.constant 2.000000e-01 : f32
    %lt3A_22 = arith.cmpf olt, %div3A_21, %lt3A : f32
    %jit3A_23 = arith.constant 1.000000e+00 : f32
    %jit3A_24 = arith.constant 0.000000e+00 : f32
    %select_n3A_25 = arith.select %lt3A_22, %jit3A_23, %jit3A_24 : f32
    %get3A_26 = arith.constant 0 : index
    %get3A_27 = arith.constant 0 : index
    %get3A_28 = arith.constant 0 : index
    %get3A_29 = vector.load %arg1[%get3A_26, %get3A_27, %get3A_28] : memref<2x16x16xf32, #tpu.memory_space<vmem>>, vector<2x16x16xf32>
    %reduce_sum3A_30 = vector.shape_cast %get3A_29 : vector<2x16x16xf32> to vector<1x2x16x16xf32>
    %reduce_sum3A_31 = arith.constant dense<0.000000e+00> : vector<1xf32>
    %reduce_sum3A_32 = vector.multi_reduction <add>, %reduce_sum3A_30, %reduce_sum3A_31 [1, 2, 3] : vector<1x2x16x16xf32> to vector<1xf32>
    %reduce_sum3A_33 = vector.shape_cast %reduce_sum3A_32 : vector<1xf32> to vector<1x1x1x1xf32>
    %reduce_sum3A_34 = vector.extract %reduce_sum3A_33[0, 0, 0, 0] : f32 from vector<1x1x1x1xf32>
    %div3A_35 = arith.constant 2.000000e+05 : f32
    %div3A_36 = arith.divf %reduce_sum3A_34, %div3A_35 : f32
    %get3A_37 = arith.constant 0 : index
    %get3A_38 = arith.constant 0 : index
    %get3A_39 = vector.load %arg2[%get3A_37, %get3A_38] : memref<4x4xf32, #tpu.memory_space<vmem>>, vector<4x4xf32>
    %get3A_40 = arith.constant 0 : index
    %get3A_41 = arith.constant 0 : index
    %get3A_42 = vector.load %arg3[%get3A_40, %get3A_41] : memref<4x4xf32, #tpu.memory_space<vmem>>, vector<4x4xf32>
    %slice3A = vector.extract_strided_slice %get3A_39 {offsets = [0, 3], sizes = [1, 1], strides = [1, 1]} : vector<4x4xf32> to vector<1x1xf32>
    %squeeze3A = vector.extract %slice3A[0, 0] : f32 from vector<1x1xf32>
    %slice3A_43 = vector.extract_strided_slice %get3A_42 {offsets = [0, 3], sizes = [1, 1], strides = [1, 1]} : vector<4x4xf32> to vector<1x1xf32>
    %squeeze3A_44 = vector.extract %slice3A_43[0, 0] : f32 from vector<1x1xf32>
    %sub3A = arith.subf %squeeze3A, %squeeze3A_44 : f32
    %integer_pow3A = arith.mulf %sub3A, %sub3A : f32
    %slice3A_45 = vector.extract_strided_slice %get3A_39 {offsets = [1, 3], sizes = [1, 1], strides = [1, 1]} : vector<4x4xf32> to vector<1x1xf32>
    %squeeze3A_46 = vector.extract %slice3A_45[0, 0] : f32 from vector<1x1xf32>
    %slice3A_47 = vector.extract_strided_slice %get3A_42 {offsets = [1, 3], sizes = [1, 1], strides = [1, 1]} : vector<4x4xf32> to vector<1x1xf32>
    %squeeze3A_48 = vector.extract %slice3A_47[0, 0] : f32 from vector<1x1xf32>
    %sub3A_49 = arith.subf %squeeze3A_46, %squeeze3A_48 : f32
    %integer_pow3A_50 = arith.mulf %sub3A_49, %sub3A_49 : f32
    %add3A = arith.addf %integer_pow3A, %integer_pow3A_50 : f32
    %slice3A_51 = vector.extract_strided_slice %get3A_39 {offsets = [2, 3], sizes = [1, 1], strides = [1, 1]} : vector<4x4xf32> to vector<1x1xf32>
    %squeeze3A_52 = vector.extract %slice3A_51[0, 0] : f32 from vector<1x1xf32>
    %slice3A_53 = vector.extract_strided_slice %get3A_42 {offsets = [2, 3], sizes = [1, 1], strides = [1, 1]} : vector<4x4xf32> to vector<1x1xf32>
    %squeeze3A_54 = vector.extract %slice3A_53[0, 0] : f32 from vector<1x1xf32>
    %sub3A_55 = arith.subf %squeeze3A_52, %squeeze3A_54 : f32
    %integer_pow3A_56 = arith.mulf %sub3A_55, %sub3A_55 : f32
    %add3A_57 = arith.addf %add3A, %integer_pow3A_56 : f32
    %sqrt3A = math.sqrt %add3A_57 : f32
    %slice3A_58 = vector.extract_strided_slice %get3A_39 {offsets = [0, 0], sizes = [1, 1], strides = [1, 1]} : vector<4x4xf32> to vector<1x1xf32>
    %squeeze3A_59 = vector.extract %slice3A_58[0, 0] : f32 from vector<1x1xf32>
    %slice3A_60 = vector.extract_strided_slice %get3A_42 {offsets = [0, 0], sizes = [1, 1], strides = [1, 1]} : vector<4x4xf32> to vector<1x1xf32>
    %squeeze3A_61 = vector.extract %slice3A_60[0, 0] : f32 from vector<1x1xf32>
    %mul3A = arith.mulf %squeeze3A_59, %squeeze3A_61 : f32
    %slice3A_62 = vector.extract_strided_slice %get3A_39 {offsets = [0, 1], sizes = [1, 1], strides = [1, 1]} : vector<4x4xf32> to vector<1x1xf32>
    %squeeze3A_63 = vector.extract %slice3A_62[0, 0] : f32 from vector<1x1xf32>
    %slice3A_64 = vector.extract_strided_slice %get3A_42 {offsets = [0, 1], sizes = [1, 1], strides = [1, 1]} : vector<4x4xf32> to vector<1x1xf32>
    %squeeze3A_65 = vector.extract %slice3A_64[0, 0] : f32 from vector<1x1xf32>
    %mul3A_66 = arith.mulf %squeeze3A_63, %squeeze3A_65 : f32
    %add3A_67 = arith.addf %mul3A, %mul3A_66 : f32
    %slice3A_68 = vector.extract_strided_slice %get3A_39 {offsets = [0, 2], sizes = [1, 1], strides = [1, 1]} : vector<4x4xf32> to vector<1x1xf32>
    %squeeze3A_69 = vector.extract %slice3A_68[0, 0] : f32 from vector<1x1xf32>
    %slice3A_70 = vector.extract_strided_slice %get3A_42 {offsets = [0, 2], sizes = [1, 1], strides = [1, 1]} : vector<4x4xf32> to vector<1x1xf32>
    %squeeze3A_71 = vector.extract %slice3A_70[0, 0] : f32 from vector<1x1xf32>
    %mul3A_72 = arith.mulf %squeeze3A_69, %squeeze3A_71 : f32
    %add3A_73 = arith.addf %add3A_67, %mul3A_72 : f32
    %slice3A_74 = vector.extract_strided_slice %get3A_39 {offsets = [1, 0], sizes = [1, 1], strides = [1, 1]} : vector<4x4xf32> to vector<1x1xf32>
    %squeeze3A_75 = vector.extract %slice3A_74[0, 0] : f32 from vector<1x1xf32>
    %slice3A_76 = vector.extract_strided_slice %get3A_42 {offsets = [1, 0], sizes = [1, 1], strides = [1, 1]} : vector<4x4xf32> to vector<1x1xf32>
    %squeeze3A_77 = vector.extract %slice3A_76[0, 0] : f32 from vector<1x1xf32>
    %mul3A_78 = arith.mulf %squeeze3A_75, %squeeze3A_77 : f32
    %add3A_79 = arith.addf %add3A_73, %mul3A_78 : f32
    %slice3A_80 = vector.extract_strided_slice %get3A_39 {offsets = [1, 1], sizes = [1, 1], strides = [1, 1]} : vector<4x4xf32> to vector<1x1xf32>
    %squeeze3A_81 = vector.extract %slice3A_80[0, 0] : f32 from vector<1x1xf32>
    %slice3A_82 = vector.extract_strided_slice %get3A_42 {offsets = [1, 1], sizes = [1, 1], strides = [1, 1]} : vector<4x4xf32> to vector<1x1xf32>
    %squeeze3A_83 = vector.extract %slice3A_82[0, 0] : f32 from vector<1x1xf32>
    %mul3A_84 = arith.mulf %squeeze3A_81, %squeeze3A_83 : f32
    %add3A_85 = arith.addf %add3A_79, %mul3A_84 : f32
    %slice3A_86 = vector.extract_strided_slice %get3A_39 {offsets = [1, 2], sizes = [1, 1], strides = [1, 1]} : vector<4x4xf32> to vector<1x1xf32>
    %squeeze3A_87 = vector.extract %slice3A_86[0, 0] : f32 from vector<1x1xf32>
    %slice3A_88 = vector.extract_strided_slice %get3A_42 {offsets = [1, 2], sizes = [1, 1], strides = [1, 1]} : vector<4x4xf32> to vector<1x1xf32>
    %squeeze3A_89 = vector.extract %slice3A_88[0, 0] : f32 from vector<1x1xf32>
    %mul3A_90 = arith.mulf %squeeze3A_87, %squeeze3A_89 : f32
    %add3A_91 = arith.addf %add3A_85, %mul3A_90 : f32
    %slice3A_92 = vector.extract_strided_slice %get3A_39 {offsets = [2, 0], sizes = [1, 1], strides = [1, 1]} : vector<4x4xf32> to vector<1x1xf32>
    %squeeze3A_93 = vector.extract %slice3A_92[0, 0] : f32 from vector<1x1xf32>
    %slice3A_94 = vector.extract_strided_slice %get3A_42 {offsets = [2, 0], sizes = [1, 1], strides = [1, 1]} : vector<4x4xf32> to vector<1x1xf32>
    %squeeze3A_95 = vector.extract %slice3A_94[0, 0] : f32 from vector<1x1xf32>
    %mul3A_96 = arith.mulf %squeeze3A_93, %squeeze3A_95 : f32
    %add3A_97 = arith.addf %add3A_91, %mul3A_96 : f32
    %slice3A_98 = vector.extract_strided_slice %get3A_39 {offsets = [2, 1], sizes = [1, 1], strides = [1, 1]} : vector<4x4xf32> to vector<1x1xf32>
    %squeeze3A_99 = vector.extract %slice3A_98[0, 0] : f32 from vector<1x1xf32>
    %slice3A_100 = vector.extract_strided_slice %get3A_42 {offsets = [2, 1], sizes = [1, 1], strides = [1, 1]} : vector<4x4xf32> to vector<1x1xf32>
    %squeeze3A_101 = vector.extract %slice3A_100[0, 0] : f32 from vector<1x1xf32>
    %mul3A_102 = arith.mulf %squeeze3A_99, %squeeze3A_101 : f32
    %add3A_103 = arith.addf %add3A_97, %mul3A_102 : f32
    %slice3A_104 = vector.extract_strided_slice %get3A_39 {offsets = [2, 2], sizes = [1, 1], strides = [1, 1]} : vector<4x4xf32> to vector<1x1xf32>
    %squeeze3A_105 = vector.extract %slice3A_104[0, 0] : f32 from vector<1x1xf32>
    %slice3A_106 = vector.extract_strided_slice %get3A_42 {offsets = [2, 2], sizes = [1, 1], strides = [1, 1]} : vector<4x4xf32> to vector<1x1xf32>
    %squeeze3A_107 = vector.extract %slice3A_106[0, 0] : f32 from vector<1x1xf32>
    %mul3A_108 = arith.mulf %squeeze3A_105, %squeeze3A_107 : f32
    %add3A_109 = arith.addf %add3A_103, %mul3A_108 : f32
    %sub3A_110 = arith.constant 1.000000e+00 : f32
    %sub3A_111 = arith.subf %add3A_109, %sub3A_110 : f32
    %mul3A_112 = arith.constant 5.000000e-01 : f32
    %mul3A_113 = arith.mulf %mul3A_112, %sub3A_111 : f32
    %jit3A_114 = arith.constant -1.000000e+00 : f32
    %jit3A_115 = arith.constant 1.000000e+00 : f32
    %max3A = arith.maximumf %jit3A_114, %mul3A_113 : f32
    %min3A = arith.minimumf %jit3A_115, %max3A : f32
    %eq3A_116 = arith.constant 0 : i32
    %eq3A_117 = vector.broadcast %eq3A_116 : i32 to vector<1x128xi32>
    %eq3A_118 = arith.cmpi eq, %iota3A, %eq3A_117 : vector<1x128xi32>
    %jit3A_119 = arith.constant 0.000000e+00 : f32
    %broadcast_in_dim3A_120 = vector.broadcast %div3A_36 : f32 to vector<1x128xf32>
    %broadcast_in_dim3A_121 = vector.broadcast %jit3A_119 : f32 to vector<1x128xf32>
    %select_n3A_122 = arith.select %eq3A_118, %broadcast_in_dim3A_120, %broadcast_in_dim3A_121 : vector<1x128xi1>, vector<1x128xf32>
    %eq3A_123 = arith.constant 1 : i32
    %eq3A_124 = vector.broadcast %eq3A_123 : i32 to vector<1x128xi32>
    %eq3A_125 = arith.cmpi eq, %iota3A, %eq3A_124 : vector<1x128xi32>
    %jit3A_126 = arith.constant 0.000000e+00 : f32
    %broadcast_in_dim3A_127 = vector.broadcast %div3A_19 : f32 to vector<1x128xf32>
    %broadcast_in_dim3A_128 = vector.broadcast %jit3A_126 : f32 to vector<1x128xf32>
    %select_n3A_129 = arith.select %eq3A_125, %broadcast_in_dim3A_127, %broadcast_in_dim3A_128 : vector<1x128xi1>, vector<1x128xf32>
    %add3A_130 = arith.addf %select_n3A_122, %select_n3A_129 : vector<1x128xf32>
    %eq3A_131 = arith.constant 2 : i32
    %eq3A_132 = vector.broadcast %eq3A_131 : i32 to vector<1x128xi32>
    %eq3A_133 = arith.cmpi eq, %iota3A, %eq3A_132 : vector<1x128xi32>
    %jit3A_134 = arith.constant 0.000000e+00 : f32
    %broadcast_in_dim3A_135 = vector.broadcast %min3A : f32 to vector<1x128xf32>
    %broadcast_in_dim3A_136 = vector.broadcast %jit3A_134 : f32 to vector<1x128xf32>
    %select_n3A_137 = arith.select %eq3A_133, %broadcast_in_dim3A_135, %broadcast_in_dim3A_136 : vector<1x128xi1>, vector<1x128xf32>
    %add3A_138 = arith.addf %add3A_130, %select_n3A_137 : vector<1x128xf32>
    %eq3A_139 = arith.constant 3 : i32
    %eq3A_140 = vector.broadcast %eq3A_139 : i32 to vector<1x128xi32>
    %eq3A_141 = arith.cmpi eq, %iota3A, %eq3A_140 : vector<1x128xi32>
    %jit3A_142 = arith.constant 0.000000e+00 : f32
    %broadcast_in_dim3A_143 = vector.broadcast %sqrt3A : f32 to vector<1x128xf32>
    %broadcast_in_dim3A_144 = vector.broadcast %jit3A_142 : f32 to vector<1x128xf32>
    %select_n3A_145 = arith.select %eq3A_141, %broadcast_in_dim3A_143, %broadcast_in_dim3A_144 : vector<1x128xi1>, vector<1x128xf32>
    %add3A_146 = arith.addf %add3A_138, %select_n3A_145 : vector<1x128xf32>
    %eq3A_147 = arith.constant 4 : i32
    %eq3A_148 = vector.broadcast %eq3A_147 : i32 to vector<1x128xi32>
    %eq3A_149 = arith.cmpi eq, %iota3A, %eq3A_148 : vector<1x128xi32>
    %jit3A_150 = arith.constant 0.000000e+00 : f32
    %broadcast_in_dim3A_151 = vector.broadcast %div3A_21 : f32 to vector<1x128xf32>
    %broadcast_in_dim3A_152 = vector.broadcast %jit3A_150 : f32 to vector<1x128xf32>
    %select_n3A_153 = arith.select %eq3A_149, %broadcast_in_dim3A_151, %broadcast_in_dim3A_152 : vector<1x128xi1>, vector<1x128xf32>
    %add3A_154 = arith.addf %add3A_146, %select_n3A_153 : vector<1x128xf32>
    %eq3A_155 = arith.constant 5 : i32
    %eq3A_156 = vector.broadcast %eq3A_155 : i32 to vector<1x128xi32>
    %eq3A_157 = arith.cmpi eq, %iota3A, %eq3A_156 : vector<1x128xi32>
    %jit3A_158 = arith.constant 0.000000e+00 : f32
    %broadcast_in_dim3A_159 = vector.broadcast %select_n3A_25 : f32 to vector<1x128xf32>
    %broadcast_in_dim3A_160 = vector.broadcast %jit3A_158 : f32 to vector<1x128xf32>
    %select_n3A_161 = arith.select %eq3A_157, %broadcast_in_dim3A_159, %broadcast_in_dim3A_160 : vector<1x128xi1>, vector<1x128xf32>
    %add3A_162 = arith.addf %add3A_154, %select_n3A_161 : vector<1x128xf32>
    %swap3A = arith.constant 0 : index
    %swap3A_163 = arith.constant 0 : index
    %swap3A_164 = vector.load %arg4[%swap3A, %swap3A_163] : memref<1x128xf32, #tpu.memory_space<vmem>>, vector<1x128xf32>
    tpu.vector_store %arg4[%swap3A, %swap3A_163], %add3A_162 {strides = array<i32>} : memref<1x128xf32, #tpu.memory_space<vmem>>, vector<1x128xf32>,
    return
  }
}

</mosaic_0001>

<sc_bundles>
// kernel: kernel.10.cloned.1.call-start
scs
__scs_entry_jumppad:
0x0: {  	(pc) =	sbr.rel $0x88, $3  }
0x1: {  	(tag) =	ssettag $0x0;
	lr =	simm.s32 $0x1  }
0x2: {  	[smem:$0x3F98] =	sst lr;
	_ =	strace $0xD0000000  }
0x3: {  	_ = 	snop  }
0x4: {  	_ = 	snop  }
0x5: {  	_ = 	snop  }
0x6: {  	_ = 	snop  }
0x7: {  	_ = 	snop  }
__scs_overlays_trampoline_lowered:
0x8: {  	[smem:$0x3FA7] =	sst s0  }
0x9: {  	[smem:$0x3FA8] =	sst s1  }
0xa: {  	[smem:$0x3FA9] =	sst s2  }
0xb: {  	[smem:$0x3FAA] =	sst s3  }
0xc: {  	[smem:$0x3FAB] =	sst s4  }
0xd: {  	[smem:$0x3FAC] =	sst s5  }
0xe: {  	[smem:$0x3FAD] =	sst s6  }
0xf: {  	[smem:$0x3FAE] =	sst s7  }
0x10: {  	[smem:$0x3FAF] =	sst s8  }
0x11: {  	[smem:$0x3FB0] =	sst s9;
	s0 =	simm.s32 @!p0 $0x0  }
0x12: {  	s1 =	sld [smem:$0x3F96];
	s0 =	simm.s32 @p0 $0x1  }
0x13: {  	[smem:$0x3FB1] =	sst s0;
	s0 =	simm.s32 @!p1 $0x0  }
0x14: {  	s2 =	sld [smem:$0x3F95];
	s0 =	simm.s32 @p1 $0x1  }
0x15: {  	[smem:$0x3FB2] =	sst s0;
	s0 =	simm.s32 @!p2 $0x0  }
0x16: {  	s3 =	sld [smem:$0x3FDB];
	s0 =	simm.s32 @p2 $0x1  }
0x17: {  	s4 =	simm.s32 $0x1BF5;
	[smem:$0x3FB4] =	sst s0  }
0x18: {  	s0 =	sld [smem:$0x3F97];
	_ =	swait.ge [sflag:s4], $0x0  }
0x19: {  	s7 =	sld [smem:$0x3F98]  }
0x1a: {  	s8 =	sadd.s32 $0xFFFFE003, lr  }
0x1b: {  	s9 =	sadd.s32 $0xFFFFFEF7, lr;
	s5 =	simm.s32 $0xFFFFFFFF;
	p2 =	slt.u32 s8, $0xFFFFF086  }
0x1c: {  	p1 =	slt.u32 s9, $0xF7A;
	s5 =	simm.s32 @!p2 $0x0  }
0x1d: {  	s5 =	simm.s32 @p1 $0x1;
	p0 =	seq.s32 s7, s2  }
0x1e: {  	s7 =	smul.u32 @!p0 $0xF7A, s2;
	p2 =	seq.s32 @!p0 s5, $0x0  }
0x1f: {  	s9 =	smul.u32 $0xF7A, s1;
	s8 =	simm.s32 @!p0 $0x1BF5;
	p2 =	por !p2, p0  }
0x20: {  	[sflag:s8] =	ssyncset.s32 @!p0 $0xFFFFF086;
	s6 =	sadd.s32 @!p0 s3, s7;
	s7 =	simm.s32 @!p0 $0x108  }
0x21: {  	s3 =	sadd.s32 s3, s9;
	s6 =	sadd.s32 @!p0 $0x88, s6;
	s7 =	simm.s32 @p2 $0x1082  }
0x22: {  	[simem:s7], [sflag:s8] =	dma.local @!p0 [hbm:s6], $0xF7A  }
0x23: {  	s9 =	sor.u32 $0xD0000000, s2;
	s6 =	simm.s32 $0x108;
	_ =	swait.ge @!p0 [sflag:s8], $0x0  }
0x24: {  	s3 =	sadd.s32 $0x88, s3;
	s6 =	simm.s32 @!p1 $0x1082;
	[sflag:s4] =	ssyncset.s32 $0xFFFFF086  }
0x25: {  	[simem:s6], [sflag:s4] =	dma.local [hbm:s3], $0xF7A  }
0x26: {  	[smem:$0x3F98] =	sst s1;
	(tag) =	ssettag s2;
	_ =	strace s9  }
0x27: {  	s1 =	sld [smem:$0x3FA8]  }
0x28: {  	s2 =	sld [smem:$0x3FA9]  }
0x29: {  	s4 =	sld [smem:$0x3FAB]  }
0x2a: {  	p0 =	seq.s32 s5, $0x0;
	s5 =	sld [smem:$0x3FAC]  }
0x2b: {  	s6 =	sld [smem:$0x3FAD]  }
0x2c: {  	s7 =	sld [smem:$0x3FAE]  }
0x2d: {  	s3 =	simm.s32 $0x108;
	s8 =	sld [smem:$0x3FAF]  }
0x2e: {  	s3 =	simm.s32 @!p0 $0x1082;
	s9 =	sld [smem:$0x3FB0]  }
0x2f: {  	lr =	sadd.s32 s0, s3;
	s0 =	sld [smem:$0x3FA7]  }
0x30: {  	s3 =	sld [smem:$0x3FAA]  }
0x31: {  	[smem:$0x3FB3] =	sst s10  }
0x32: {  	s10 =	sld [smem:$0x3FB1];
	_ =	sdelay $0x3  }
0x33: {  	p0 =	seq.s32 s10, $0x1;
	s10 =	sld [smem:$0x3FB3];
	_ =	sdelay $0x3  }
0x34: {  	[smem:$0x3FB3] =	sst s10  }
0x35: {  	s10 =	sld [smem:$0x3FB2];
	_ =	sdelay $0x3  }
0x36: {  	p1 =	seq.s32 s10, $0x1;
	s10 =	sld [smem:$0x3FB3];
	_ =	sdelay $0x3  }
0x37: {  	[smem:$0x3FB3] =	sst s10  }
0x38: {  	s10 =	sld [smem:$0x3FB4]  }
0x39: {  	_ = 	snop;
	(pc) =	sbr.ind lr, $3  }
0x3a: {  	_ = 	snop  }
0x3b: {  	_ = 	snop  }
0x3c: {  	p2 =	seq.s32 s10, $0x1;
	s10 =	sld [smem:$0x3FB3]  }
0x3d: {  	_ =	shalt  }
0x3e: {  	_ =	shalt  }
0x3f: {  	_ =	shalt  }
0x40: {  	_ =	shalt  }
0x41: {  	_ =	shalt  }
0x42: {  	_ =	shalt  }
0x43: {  	_ =	shalt  }
0x44: {  	_ =	shalt  }
0x45: {  	_ =	shalt  }
0x46: {  	_ =	shalt  }
0x47: {  	_ =	shalt  }
0x48: {  	_ =	shalt  }
0x49: {  	_ =	shalt  }
0x4a: {  	_ =	shalt  }
0x4b: {  	_ =	shalt  }
0x4c: {  	_ =	shalt  }
0x4d: {  	_ =	shalt  }
0x4e: {  	_ =	shalt  }
0x4f: {  	_ =	shalt  }
0x50: {  	_ =	shalt  }
0x51: {  	_ =	shalt  }
0x52: {  	_ =	shalt  }
0x53: {  	_ =	shalt  }
0x54: {  	_ =	shalt  }
0x55: {  	_ =	shalt  }
0x56: {  	_ =	shalt  }
0x57: {  	_ =	shalt  }
0x58: {  	_ =	shalt  }
0x59: {  	_ =	shalt  }
0x5a: {  	_ =	shalt  }
0x5b: {  	_ =	shalt  }
0x5c: {  	_ =	shalt  }
0x5d: {  	_ =	shalt  }
0x5e: {  	_ =	shalt  }
0x5f: {  	_ =	shalt  }
0x60: {  	_ =	shalt  }
0x61: {  	_ =	shalt  }
0x62: {  	_ =	shalt  }
0x63: {  	_ =	shalt  }
0x64: {  	_ =	shalt  }
0x65: {  	_ =	shalt  }
0x66: {  	_ =	shalt  }
0x67: {  	_ =	shalt  }
0x68: {  	_ =	shalt  }
0x69: {  	_ =	shalt  }
0x6a: {  	_ =	shalt  }
0x6b: {  	_ =	shalt  }
0x6c: {  	_ =	shalt  }
0x6d: {  	_ =	shalt  }
0x6e: {  	_ =	shalt  }
0x6f: {  	_ =	shalt  }
0x70: {  	_ =	shalt  }
0x71: {  	_ =	shalt  }
0x72: {  	_ =	shalt  }
0x73: {  	_ =	shalt  }
0x74: {  	_ =	shalt  }
0x75: {  	_ =	shalt  }
0x76: {  	_ =	shalt  }
0x77: {  	_ =	shalt  }
0x78: {  	_ =	shalt  }
0x79: {  	_ =	shalt  }
0x7a: {  	_ =	shalt  }
0x7b: {  	_ =	shalt  }
0x7c: {  	_ =	shalt  }
0x7d: {  	_ =	shalt  }
0x7e: {  	_ =	shalt  }
0x7f: {  	_ =	shalt  }
0x80: {  	_ =	shalt  }
0x81: {  	_ =	shalt  }
0x82: {  	_ =	shalt  }
0x83: {  	_ =	shalt  }
0x84: {  	_ =	shalt  }
0x85: {  	_ =	shalt  }
0x86: {  	_ =	shalt  }
0x87: {  	_ =	shalt  }
.Lfunc_end0:
.L_simem_size_0:
called_computation.1_lowered:
.L_overlay_start_0:
0x88: {  	s2 =	sld [smem:$0x3FD9]  }
0x89: {  	s3 =	sld [smem:$0x3FFE];
	_ =	sdelay $0x1  }
0x8a: {  	s1 =	srdreg.scid  }
0x8b: {  	s0 =	sand.u32 $0x1, s1  }
0x8c: {  	s16 =	sshll.u32 s0, $0xA;
	s2 =	sadd.s32 s3, s2  }
0x8d: {  	s2 =	sadd.s32 s2, s16  }
0x8e: {  	[smem:$0x3FBF] =	sst s2  }
0x8f: {  	_ = 	snop  }
0x90: {  	(tm) =	ssettm $0x1  }
0x91: {  	s17 =	sld [smem:$0x3FFB];
	_ =	sdelay $0x3  }
0x92: {  	_ =	strace s17  }
0x93: {  	s2 =	sld [smem:$0x3FFC];
	_ =	sdelay $0x3  }
0x94: {  	_ =	strace s2  }
0x95: {  	s2 =	sld [smem:$0x3FFD];
	_ =	sdelay $0x3  }
0x96: {  	_ =	strace s2  }
0x97: {  	_ =	strace $0x8FFFFFFF  }
0x98: {  	s18 =	sld [smem:$0x3FDB];
	_ =	sdelay $0x1  }
0x99: {  	s19 =	simm.s32 $_scs_section_size  }
0x9a: {  	s4 =	simm.s32 $_size__tile_overlayer_lowered;
	s5 =	simm.s32 $_tile_overlayer_lowered  }
0x9b: {  	s22 =	simm.s32 $0x1BFF;
	s21 =	sshll.u32 s5, $0x1;
	s2 =	sadd.s32 s19, s18  }
0x9c: {  	s6 =	simm.s32 $0x0;
	s20 =	sshll.u32 s4, $0x1;
	s4 =	sadd.s32 s21, s2  }
0x9d: {  	[timem:s6], [sflag:s22] =	dma.local [hbm:s4], s20  }
0x9e: {  	_ =	swait.ge [sflag:s22], s20  }
0x9f: {  	s3 =	ssub.s32 $0x0, s20;
	[sflag:s22] =	ssyncset.done $0x0  }
0xa0: {  	[sflag:s22] =	ssyncadd.s32 s3;
	_ =	sdelay $0x1  }
0xa1: {  	s23 =	simm.s32 $0x1B8B  }
0xa2: {  	_ =	swait.ge [sflag:s23], $0x1  }
0xa3: {  	[sflag:s23] =	ssyncset.done $0x0  }
0xa4: {  	s25 =	simm.s32 $0x1B8E;
	s24 =	sld [smem:$0x3FFE];
	[sflag:s23] =	ssyncadd.s32 $0xFFFFFFFF  }
0xa5: {  	s26 =	simm.s32 $execute0_lowered;
	[smem:$0x3FD2] =	sst s25  }
0xa6: {  	s4 =	sshll.u32 s26, $0x1;
	_ =	strace $0x80000049;
	[dreg:$0x1] =	wrdreg $0xFFFFFFFF  }
0xa7: {  	s28 =	simm.s32 $_size_execute0_lowered;
	s2 =	sadd.s32 s2, s4;
	[dreg:$0x0] =	wrdreg $0x0  }
0xa8: {  	s4 =	sshll.u32 s28, $0x1;
	[dreg:$0x2] =	wrdreg s2  }
0xa9: {  	[dreg:$0x3] =	wrdreg s4  }
0xaa: {  	[dreg:$0x4] =	wrdreg $0xC0  }
0xab: {  	_ =	task [dreg:s6], $0x5FFFF  }
0xac: {  	[dreg:$0x1] =	wrdreg $0xFFFFFFFF  }
0xad: {  	[dreg:$0x0] =	wrdreg $0x60  }
0xae: {  	[dreg:$0x2] =	wrdreg s24  }
0xaf: {  	[dreg:$0x3] =	wrdreg $0x9  }
0xb0: {  	_ =	task.clear_ibuf [dreg:s6], $0x4FFFF;
	_ =	strace $0x90000049  }
0xb1: {  	s29 =	simm.s32 $0x9;
	_ =	strace $0x8000004B  }
0xb2: {  	_ =	swait.ge [sflag:s29], $0x1  }
0xb3: {  	[sflag:s29] =	ssyncadd.s32 $0xFFFFFFFF  }
0xb4: {  	_ =	strace $0x9000004B  }
0xb5: {  	_ =	sfence  }
0xb6: {  	s30 =	sld [smem:$0x0];
	_ =	sdelay $0x2  }
0xb7: {  	s31 =	sshll.u32 s1, $0xD;
	s1 =	sshrl.u32 s1, $0x2  }
0xb8: {  	s3 =	sand.u32 $0x4000, s31;
	s1 =	sadd.s32 s1, s30  }
0xb9: {  	s0 =	sor.u32 s3, s0;
	s1 =	sshll.u32 s1, $0x11  }
0xba: {  	s0 =	sor.u32 s1, s0  }
0xbb: {  	s0 =	sadd.s32 $0x8F2B, s0  }
0xbc: {  	[sflag:s0] =	ssyncadd.remote.s32 $0x1  }
0xbd: {  	_ =	sfence.sel $0xFFFF  }
0xbe: {  	[dreg:$0x0] =	wrdreg $0xFFFFFFFF;
	(pc) =	sbr.abs _section_cstart, $3  }
0xbf: {  	[dreg:$0x1] =	wrdreg $0xFFFFFFFF  }
0xc0: {  	_ =	task.clear_ibuf [dreg:s6], $0x2FFFF;
	_ =	strace $0x9FFFFFFF  }
0xc1: {  	(tm) =	ssettm $0x7FFFFFFF  }
tec
execute0_lowered:
.L_overlay_start_1:
0x0: {  	(tag) =	ssettag $0x1  }
0x1: {  	s0 =	srdreg.scid  }
0x2: {  	s4 =	rddreg [dreg:$0x0];
	s2 =	simm.s32 $0x0;
	s9 =	simm.s32 $0x1  }
0x3: {  	s10 =	simm.s32 $0x3800;
	s11 =	simm.s32 $0x0;
	s3 =	sand.u32 $0x1, s0  }
0x4: {  	s0 =	stileid.u32;
	[smem:$0x7FF] =	sst s2;
	s1 =	sshll.u32 s3, $0x4  }
0x5: {  	s6 =	sshll.u32 s0, $0x4;
	s7 =	ssub.s32 $0x2, s3;
	s5 =	sor.u32 s0, s1  }
0x6: {  	s8 =	sshll.u32 s3, $0x8;
	s3 =	sadd.s32 $0x12800, s4;
	s5 =	smul.u32 $0x380, s5  }
0x7: {  	s1 =	rddreg [dreg:$0x1];
	_ =	strace $0x8000004A;
	s6 =	sadd.s32 s6, s4  }
0x8: {  	s31 =	sshrl.u32 s7, $0x1;
	s6 =	sadd.s32 s8, s6;
	s5 =	sadd.s32 s5, s4  }
0x9: {  	s7 =	ssub.s32 s7, s31;
	s8 =	simm.s32 $0x80;
	s4 =	sadd.s32 $0xB800, s5  }
0xa: {  	s5 =	sadd.s32 $0x3800, s6;
	s6 =	smax.u32 s7, $0x1;
	s7 =	simm.s32 $0x2  }
.LBB2_1:
0xb: {  	[tilespmem:s2], [sflag:$0x2] =	stream.linear.gather [hbm4b:s4+s2], $0x1C00, $0x38;
	[tilespmem:$0x3880] =	vst v63  }
0xc: {  	_ =	swait.ge [sflag:s7], $0x1C00  }
0xd: {  	[sflag:s7] =	ssyncset.done $0x0  }
0xe: {  	s12 =	simm.s32 $0x0;
	[sflag:s7] =	ssyncadd.s32 $0xFFFFE400  }
.LBB2_2:
0xf: {  	p0 =	sne.s32 s12, $0x6E00  }
.Ltmp0:
0x10: {  	_ = 	snop;
	(pc) =	sbr.rel @p0 .LBB2_2-.Ltmp0, $4  }
0x11: {  	_ = 	snop  }
0x12: {  	s13 =	sshra.s32 s12, $0x2  }
0x13: {  	s12 =	sadd.s32 $0x200, s12;
	s14 =	sadd.s32 $0x1C00, s13  }
0x14: {  	[tilespmem:s14], [sflag:$0x1] =	stream.indirect.gather [hbm4b:s3+s8], $0x1, s13, s8, $0xb8;
	[tilespmem:$0x3880] =	vst v63  }
0x15: {  	s12 =	simm.s32 $0x38  }
.LBB2_4:
0x16: {  	p0 =	sne.s32 s12, $0x1  }
.Ltmp1:
0x17: {  	_ = 	snop;
	(pc) =	sbr.rel @p0 .LBB2_4-.Ltmp1, $4  }
0x18: {  	_ = 	snop  }
0x19: {  	_ =	swait.ge [sflag:s9], $0x80  }
0x1a: {  	[sflag:s9] =	ssyncset.done $0x0  }
0x1b: {  	s12 =	sadd.s32 $0xFFFFFFFF, s12;
	[sflag:s9] =	ssyncadd.s32 $0xFFFFFF80  }
0x1c: {  	s12 =	simm.s32 $0x70  }
0x1d: {  	v0 =	vld [tilespmem:s12+$0x1B90];
	_ =	sdelay $0x1  }
0x1e: {  	v1 =	vld [tilespmem:s12+$0x1BA0];
	_ =	sdelay $0x1  }
0x1f: {  	v2 =	vimm.f32 $0.0e+00;
	v3 =	vld [tilespmem:s12+$0x1BB0]  }
0x20: {  	v0 =	vadd.f32 v0, v2  }
0x21: {  	v2 =	vld [tilespmem:s12+$0x1BC0]  }
0x22: {  	v0 =	vadd.f32 v1, v0  }
0x23: {  	v1 =	vld [tilespmem:s12+$0x1BD0]  }
0x24: {  	v0 =	vadd.f32 v3, v0;
	_ =	sdelay $0x1  }
0x25: {  	v3 =	vld [tilespmem:s12+$0x1BE0];
	v0 =	vadd.f32 v2, v0;
	_ =	sdelay $0x1  }
0x26: {  	v2 =	vadd.f32 v1, v0;
	v1 =	vld [tilespmem:s12+$0x1BF0];
	_ =	sdelay $0x1  }
0x27: {  	v0 =	vld [tilespmem:s12+$0x1C00]  }
0x28: {  	s13 =	simm.s32 $0x5C0;
	s12 =	simm.s32 $0xF0;
	v2 =	vadd.f32 v3, v2  }
.LBB2_6:
0x29: {  	p0 =	sne.s32 s13, $0x6FC0;
	v3 =	vld [tilespmem:s12+$0x1B90]  }
0x2a: {  	v1 =	vadd.f32 v1, v2  }
0x2b: {  	v2 =	vld [tilespmem:s12+$0x1BA0]  }
0x2c: {  	v0 =	vadd.f32 v0, v1  }
0x2d: {  	v1 =	vld [tilespmem:s12+$0x1BB0]  }
0x2e: {  	v0 =	vadd.f32 v3, v0  }
0x2f: {  	v3 =	vld [tilespmem:s12+$0x1BC0]  }
0x30: {  	v0 =	vadd.f32 v2, v0  }
0x31: {  	v2 =	vld [tilespmem:s12+$0x1BD0]  }
0x32: {  	v0 =	vadd.f32 v1, v0  }
0x33: {  	v4 =	vld [tilespmem:s12+$0x1BE0]  }
.Ltmp2:
0x34: {  	v0 =	vadd.f32 v3, v0;
	(pc) =	sbr.rel @p0 .LBB2_6-.Ltmp2, $4  }
0x35: {  	v1 =	vld [tilespmem:s12+$0x1BF0]  }
0x36: {  	v2 =	vadd.f32 v2, v0  }
0x37: {  	v0 =	vld [tilespmem:s12+$0x1C00]  }
0x38: {  	s12 =	sshra.s32 s13, $0x2;
	s13 =	sadd.s32 $0x200, s13;
	v2 =	vadd.f32 v4, v2  }
0x39: {  	v3 =	vld [tilespmem:s12+$0x1B90]  }
0x3a: {  	v1 =	vadd.f32 v1, v2  }
0x3b: {  	v57 =	vld [tilespmem:s12+$0x1BA0]  }
0x3c: {  	v0 =	vadd.f32 v0, v1  }
0x3d: {  	v58 =	vld [tilespmem:s12+$0x1BB0]  }
0x3e: {  	v0 =	vadd.f32 v3, v0  }
0x3f: {  	v59 =	vld [tilespmem:s12+$0x1BC0]  }
0x40: {  	v0 =	vadd.f32 v57, v0  }
0x41: {  	v60 =	vld [tilespmem:s12+$0x1BD0]  }
0x42: {  	v0 =	vadd.f32 v58, v0  }
0x43: {  	v61 =	vld [tilespmem:s12+$0x1BE0]  }
0x44: {  	v0 =	vadd.f32 v59, v0  }
0x45: {  	v62 =	vld [tilespmem:s12+$0x1BF0]  }
0x46: {  	v0 =	vadd.f32 v60, v0  }
0x47: {  	v63 =	vld [tilespmem:s12+$0x1C00]  }
0x48: {  	v0 =	vadd.f32 v61, v0;
	_ =	sdelay $0x1  }
0x49: {  	v0 =	vadd.f32 v62, v0;
	_ =	sdelay $0x1  }
0x4a: {  	s11 =	sadd.s32 $0x1, s11;
	v0 =	vadd.f32 v63, v0  }
0x4b: {  	p0 =	sne.s32 s11, s6  }
.Ltmp3:
0x4c: {  	[tilespmem:$0x3800] =	vst v0;
	(pc) =	sbr.rel @p0 .LBB2_1-.Ltmp3, $4  }
0x4d: {  	[hbm4b:s5+s2] =	stream.linear.scatter [tilespmem:s10], [sflag:$0x2], $0x80, $0x38;
	[tilespmem:$0x3880] =	vst v63  }
0x4e: {  	_ =	swait.ge [sflag:s7], $0x80  }
0x4f: {  	[sflag:s7] =	ssyncset.done $0x0  }
0x50: {  	[sflag:s7] =	ssyncadd.s32 $0xFFFFFF80  }
0x51: {  	_ =	sfence.sel $0x180000  }
0x52: {  	[bflag:$0x0] =	sbarrier.arrive $0xFFFF  }
0x53: {  	p0 =	sne.s32 s0, $0x0;
	_ =	strace $0x9000004A  }
0x54: {  	s0 =	sadd.s32 @!p0 $0x100000, s1;
	[bflag:$0x2] =	sbarrier.arrive $0xFFFF  }
0x55: {  	[sflag:s0] =	ssyncadd.tile.s32 @!p0 $0x1;
	_ =	shalt  }
.Lfunc_end2:
_tile_overlayer_lowered:
.L_overlay_start_2:
0x56: {  	(tag) =	ssettag $0x2  }
0x57: {  	s0 =	rddreg [dreg:$0x0];
	s2 =	stileid.u32  }
0x58: {  	s1 =	rddreg [dreg:$0x1];
	p0 =	sne.s32 s2, $0x0  }
0x59: {  	s3 =	rddreg [dreg:$0x2];
	[bflag:$0x3] =	sbarrier.arrive $0xFFFF;
	s2 =	simm.s32 @!p0 $0x1C02  }
0x5a: {  	[timem:s3], [sflag:s2] =	dma.local @!p0 [hbm:s0], s1  }
0x5b: {  	s0 =	simm.s32 @!p0 $0x2  }
0x5c: {  	_ =	swait.ge @!p0 [sflag:s0], s1  }
0x5d: {  	s1 =	ssub.s32 @!p0 $0x0, s1;
	[sflag:s0] =	ssyncset.done @!p0 $0x0  }
0x5e: {  	[sflag:s0] =	ssyncadd.s32 @!p0 s1  }
0x5f: {  	[bflag:$0x3] =	sbarrier.arrive $0xFFFF  }
0x60: {  	_ =	shalt  }

// kernel: kernel.7.cloned.1.call-start
scs
__scs_entry_jumppad:
0x0: {  	(pc) =	sbr.rel $0x88, $3  }
0x1: {  	(tag) =	ssettag $0x0;
	lr =	simm.s32 $0x1  }
0x2: {  	[smem:$0x3F98] =	sst lr;
	_ =	strace $0xD0000000  }
0x3: {  	_ = 	snop  }
0x4: {  	_ = 	snop  }
0x5: {  	_ = 	snop  }
0x6: {  	_ = 	snop  }
0x7: {  	_ = 	snop  }
__scs_overlays_trampoline_lowered:
0x8: {  	[smem:$0x3FA7] =	sst s0  }
0x9: {  	[smem:$0x3FA8] =	sst s1  }
0xa: {  	[smem:$0x3FA9] =	sst s2  }
0xb: {  	[smem:$0x3FAA] =	sst s3  }
0xc: {  	[smem:$0x3FAB] =	sst s4  }
0xd: {  	[smem:$0x3FAC] =	sst s5  }
0xe: {  	[smem:$0x3FAD] =	sst s6  }
0xf: {  	[smem:$0x3FAE] =	sst s7  }
0x10: {  	[smem:$0x3FAF] =	sst s8  }
0x11: {  	[smem:$0x3FB0] =	sst s9;
	s0 =	simm.s32 @!p0 $0x0  }
0x12: {  	s1 =	sld [smem:$0x3F96];
	s0 =	simm.s32 @p0 $0x1  }
0x13: {  	[smem:$0x3FB1] =	sst s0;
	s0 =	simm.s32 @!p1 $0x0  }
0x14: {  	s2 =	sld [smem:$0x3F95];
	s0 =	simm.s32 @p1 $0x1  }
0x15: {  	[smem:$0x3FB2] =	sst s0;
	s0 =	simm.s32 @!p2 $0x0  }
0x16: {  	s3 =	sld [smem:$0x3FDB];
	s0 =	simm.s32 @p2 $0x1  }
0x17: {  	s4 =	simm.s32 $0x1BF5;
	[smem:$0x3FB4] =	sst s0  }
0x18: {  	s0 =	sld [smem:$0x3F97];
	_ =	swait.ge [sflag:s4], $0x0  }
0x19: {  	s7 =	sld [smem:$0x3F98]  }
0x1a: {  	s8 =	sadd.s32 $0xFFFFE003, lr  }
0x1b: {  	s9 =	sadd.s32 $0xFFFFFEF7, lr;
	s5 =	simm.s32 $0xFFFFFFFF;
	p2 =	slt.u32 s8, $0xFFFFF086  }
0x1c: {  	p1 =	slt.u32 s9, $0xF7A;
	s5 =	simm.s32 @!p2 $0x0  }
0x1d: {  	s5 =	simm.s32 @p1 $0x1;
	p0 =	seq.s32 s7, s2  }
0x1e: {  	s7 =	smul.u32 @!p0 $0xF7A, s2;
	p2 =	seq.s32 @!p0 s5, $0x0  }
0x1f: {  	s9 =	smul.u32 $0xF7A, s1;
	s8 =	simm.s32 @!p0 $0x1BF5;
	p2 =	por !p2, p0  }
0x20: {  	[sflag:s8] =	ssyncset.s32 @!p0 $0xFFFFF086;
	s6 =	sadd.s32 @!p0 s3, s7;
	s7 =	simm.s32 @!p0 $0x108  }
0x21: {  	s3 =	sadd.s32 s3, s9;
	s6 =	sadd.s32 @!p0 $0x88, s6;
	s7 =	simm.s32 @p2 $0x1082  }
0x22: {  	[simem:s7], [sflag:s8] =	dma.local @!p0 [hbm:s6], $0xF7A  }
0x23: {  	s9 =	sor.u32 $0xD0000000, s2;
	s6 =	simm.s32 $0x108;
	_ =	swait.ge @!p0 [sflag:s8], $0x0  }
0x24: {  	s3 =	sadd.s32 $0x88, s3;
	s6 =	simm.s32 @!p1 $0x1082;
	[sflag:s4] =	ssyncset.s32 $0xFFFFF086  }
0x25: {  	[simem:s6], [sflag:s4] =	dma.local [hbm:s3], $0xF7A  }
0x26: {  	[smem:$0x3F98] =	sst s1;
	(tag) =	ssettag s2;
	_ =	strace s9  }
0x27: {  	s1 =	sld [smem:$0x3FA8]  }
0x28: {  	s2 =	sld [smem:$0x3FA9]  }
0x29: {  	s4 =	sld [smem:$0x3FAB]  }
0x2a: {  	p0 =	seq.s32 s5, $0x0;
	s5 =	sld [smem:$0x3FAC]  }
0x2b: {  	s6 =	sld [smem:$0x3FAD]  }
0x2c: {  	s7 =	sld [smem:$0x3FAE]  }
0x2d: {  	s3 =	simm.s32 $0x108;
	s8 =	sld [smem:$0x3FAF]  }
0x2e: {  	s3 =	simm.s32 @!p0 $0x1082;
	s9 =	sld [smem:$0x3FB0]  }
0x2f: {  	lr =	sadd.s32 s0, s3;
	s0 =	sld [smem:$0x3FA7]  }
0x30: {  	s3 =	sld [smem:$0x3FAA]  }
0x31: {  	[smem:$0x3FB3] =	sst s10  }
0x32: {  	s10 =	sld [smem:$0x3FB1];
	_ =	sdelay $0x3  }
0x33: {  	p0 =	seq.s32 s10, $0x1;
	s10 =	sld [smem:$0x3FB3];
	_ =	sdelay $0x3  }
0x34: {  	[smem:$0x3FB3] =	sst s10  }
0x35: {  	s10 =	sld [smem:$0x3FB2];
	_ =	sdelay $0x3  }
0x36: {  	p1 =	seq.s32 s10, $0x1;
	s10 =	sld [smem:$0x3FB3];
	_ =	sdelay $0x3  }
0x37: {  	[smem:$0x3FB3] =	sst s10  }
0x38: {  	s10 =	sld [smem:$0x3FB4]  }
0x39: {  	_ = 	snop;
	(pc) =	sbr.ind lr, $3  }
0x3a: {  	_ = 	snop  }
0x3b: {  	_ = 	snop  }
0x3c: {  	p2 =	seq.s32 s10, $0x1;
	s10 =	sld [smem:$0x3FB3]  }
0x3d: {  	_ =	shalt  }
0x3e: {  	_ =	shalt  }
0x3f: {  	_ =	shalt  }
0x40: {  	_ =	shalt  }
0x41: {  	_ =	shalt  }
0x42: {  	_ =	shalt  }
0x43: {  	_ =	shalt  }
0x44: {  	_ =	shalt  }
0x45: {  	_ =	shalt  }
0x46: {  	_ =	shalt  }
0x47: {  	_ =	shalt  }
0x48: {  	_ =	shalt  }
0x49: {  	_ =	shalt  }
0x4a: {  	_ =	shalt  }
0x4b: {  	_ =	shalt  }
0x4c: {  	_ =	shalt  }
0x4d: {  	_ =	shalt  }
0x4e: {  	_ =	shalt  }
0x4f: {  	_ =	shalt  }
0x50: {  	_ =	shalt  }
0x51: {  	_ =	shalt  }
0x52: {  	_ =	shalt  }
0x53: {  	_ =	shalt  }
0x54: {  	_ =	shalt  }
0x55: {  	_ =	shalt  }
0x56: {  	_ =	shalt  }
0x57: {  	_ =	shalt  }
0x58: {  	_ =	shalt  }
0x59: {  	_ =	shalt  }
0x5a: {  	_ =	shalt  }
0x5b: {  	_ =	shalt  }
0x5c: {  	_ =	shalt  }
0x5d: {  	_ =	shalt  }
0x5e: {  	_ =	shalt  }
0x5f: {  	_ =	shalt  }
0x60: {  	_ =	shalt  }
0x61: {  	_ =	shalt  }
0x62: {  	_ =	shalt  }
0x63: {  	_ =	shalt  }
0x64: {  	_ =	shalt  }
0x65: {  	_ =	shalt  }
0x66: {  	_ =	shalt  }
0x67: {  	_ =	shalt  }
0x68: {  	_ =	shalt  }
0x69: {  	_ =	shalt  }
0x6a: {  	_ =	shalt  }
0x6b: {  	_ =	shalt  }
0x6c: {  	_ =	shalt  }
0x6d: {  	_ =	shalt  }
0x6e: {  	_ =	shalt  }
0x6f: {  	_ =	shalt  }
0x70: {  	_ =	shalt  }
0x71: {  	_ =	shalt  }
0x72: {  	_ =	shalt  }
0x73: {  	_ =	shalt  }
0x74: {  	_ =	shalt  }
0x75: {  	_ =	shalt  }
0x76: {  	_ =	shalt  }
0x77: {  	_ =	shalt  }
0x78: {  	_ =	shalt  }
0x79: {  	_ =	shalt  }
0x7a: {  	_ =	shalt  }
0x7b: {  	_ =	shalt  }
0x7c: {  	_ =	shalt  }
0x7d: {  	_ =	shalt  }
0x7e: {  	_ =	shalt  }
0x7f: {  	_ =	shalt  }
0x80: {  	_ =	shalt  }
0x81: {  	_ =	shalt  }
0x82: {  	_ =	shalt  }
0x83: {  	_ =	shalt  }
0x84: {  	_ =	shalt  }
0x85: {  	_ =	shalt  }
0x86: {  	_ =	shalt  }
0x87: {  	_ =	shalt  }
.Lfunc_end0:
.L_simem_size_0:
called_computation_lowered:
.L_overlay_start_0:
0x88: {  	s0 =	sld [smem:$0x3FD9]  }
0x89: {  	s1 =	sld [smem:$0x3FFE];
	_ =	sdelay $0x3  }
0x8a: {  	s0 =	sadd.s32 s1, s0  }
0x8b: {  	[smem:$0x3FBF] =	sst s0  }
0x8c: {  	_ = 	snop  }
0x8d: {  	(tm) =	ssettm $0x1  }
0x8e: {  	s15 =	sld [smem:$0x3FFB];
	_ =	sdelay $0x3  }
0x8f: {  	_ =	strace s15  }
0x90: {  	s0 =	sld [smem:$0x3FFC];
	_ =	sdelay $0x3  }
0x91: {  	_ =	strace s0  }
0x92: {  	s0 =	sld [smem:$0x3FFD];
	_ =	sdelay $0x3  }
0x93: {  	_ =	strace s0  }
0x94: {  	_ =	strace $0x8FFFFFFF  }
0x95: {  	s16 =	sld [smem:$0x3FDB];
	_ =	sdelay $0x1  }
0x96: {  	s17 =	simm.s32 $_scs_section_size  }
0x97: {  	s2 =	simm.s32 $_size__tile_overlayer_lowered;
	s3 =	simm.s32 $_tile_overlayer_lowered  }
0x98: {  	s20 =	simm.s32 $0x1BFF;
	s19 =	sshll.u32 s3, $0x1;
	s0 =	sadd.s32 s17, s16  }
0x99: {  	s4 =	simm.s32 $0x0;
	s18 =	sshll.u32 s2, $0x1;
	s2 =	sadd.s32 s19, s0  }
0x9a: {  	[timem:s4], [sflag:s20] =	dma.local [hbm:s2], s18  }
0x9b: {  	_ =	swait.ge [sflag:s20], s18  }
0x9c: {  	s1 =	ssub.s32 $0x0, s18;
	[sflag:s20] =	ssyncset.done $0x0  }
0x9d: {  	[sflag:s20] =	ssyncadd.s32 s1;
	_ =	sdelay $0x1  }
0x9e: {  	s21 =	simm.s32 $0x1B8B  }
0x9f: {  	_ =	swait.ge [sflag:s21], $0x1  }
0xa0: {  	[sflag:s21] =	ssyncset.done $0x0  }
0xa1: {  	s23 =	simm.s32 $0x1B8E;
	s22 =	sld [smem:$0x3FFE];
	[sflag:s21] =	ssyncadd.s32 $0xFFFFFFFF  }
0xa2: {  	s24 =	simm.s32 $execute0_lowered;
	[smem:$0x3FD2] =	sst s23  }
0xa3: {  	s2 =	sshll.u32 s24, $0x1;
	_ =	strace $0x80000046;
	[dreg:$0x1] =	wrdreg $0xFFFFFFFF  }
0xa4: {  	s25 =	simm.s32 $_size_execute0_lowered;
	s0 =	sadd.s32 s0, s2;
	[dreg:$0x0] =	wrdreg $0x0  }
0xa5: {  	s2 =	sshll.u32 s25, $0x1;
	[dreg:$0x2] =	wrdreg s0  }
0xa6: {  	[dreg:$0x3] =	wrdreg s2  }
0xa7: {  	[dreg:$0x4] =	wrdreg $0xC0  }
0xa8: {  	_ =	task [dreg:s4], $0x5FFFF  }
0xa9: {  	[dreg:$0x1] =	wrdreg $0xFFFFFFFF  }
0xaa: {  	[dreg:$0x0] =	wrdreg $0x60  }
0xab: {  	[dreg:$0x2] =	wrdreg s22  }
0xac: {  	[dreg:$0x3] =	wrdreg $0x9  }
0xad: {  	_ =	task.clear_ibuf [dreg:s4], $0x4FFFF;
	_ =	strace $0x90000046  }
0xae: {  	s26 =	simm.s32 $0x9;
	_ =	strace $0x80000048  }
0xaf: {  	_ =	swait.ge [sflag:s26], $0x1  }
0xb0: {  	[sflag:s26] =	ssyncadd.s32 $0xFFFFFFFF  }
0xb1: {  	_ =	strace $0x90000048  }
0xb2: {  	_ =	sfence  }
0xb3: {  	s28 =	sld [smem:$0x0];
	_ =	sdelay $0x1  }
0xb4: {  	s29 =	srdreg.scid  }
0xb5: {  	s30 =	sshll.u32 s29, $0xD;
	s31 =	sshrl.u32 s29, $0x2  }
0xb6: {  	s1 =	sand.u32 $0x1, s29;
	s2 =	sand.u32 $0x4000, s30;
	s0 =	sadd.s32 s31, s28  }
0xb7: {  	s1 =	sor.u32 s2, s1;
	s0 =	sshll.u32 s0, $0x11  }
0xb8: {  	s0 =	sor.u32 s0, s1  }
0xb9: {  	s0 =	sadd.s32 $0x8F2B, s0  }
0xba: {  	[sflag:s0] =	ssyncadd.remote.s32 $0x1  }
0xbb: {  	_ =	sfence.sel $0xFFFF  }
0xbc: {  	[dreg:$0x0] =	wrdreg $0xFFFFFFFF;
	(pc) =	sbr.abs _section_cstart, $3  }
0xbd: {  	[dreg:$0x1] =	wrdreg $0xFFFFFFFF  }
0xbe: {  	_ =	task.clear_ibuf [dreg:s4], $0x2FFFF;
	_ =	strace $0x9FFFFFFF  }
0xbf: {  	(tm) =	ssettm $0x7FFFFFFF  }
tec
execute0_lowered:
.L_overlay_start_1:
0x0: {  	(tag) =	ssettag $0x1  }
0x1: {  	s2 =	rddreg [dreg:$0x0];
	s1 =	stileid.u32  }
0x2: {  	s0 =	rddreg [dreg:$0x1];
	s3 =	simm.s32 $0x0;
	s4 =	sshll.u32 s1, $0xB  }
0x3: {  	[smem:$0x7FF] =	sst s3;
	s4 =	sadd.s32 s4, s2  }
0x4: {  	s5 =	simm.s32 $0x4000;
	_ =	strace $0x80000047;
	s4 =	sadd.s32 $0x3800, s4  }
0x5: {  	[tilespmem:s5], [sflag:$0x2] =	stream.linear.gather [hbm4b:s4+s3], $0x4000, $0x38;
	[tilespmem:$0x8080] =	vst v63  }
0x6: {  	v0 =	vimm.f32 $0.0e+00;
	s2 =	sadd.s32 $0x12800, s2;
	s3 =	simm.s32 $0x40;
	s4 =	simm.s32 $0x0  }
.LBB2_1:
0x7: {  	p0 =	sne.s32 s3, $0xFFC0;
	[tilespmem:s4+$0x0] =	vst v0;
	s4 =	smov.u32 s3;
	s3 =	sadd.s32 $0x40, s3  }
.Ltmp0:
0x8: {  	(pc) =	sbr.rel @p0 .LBB2_1-.Ltmp0, $2  }
0x9: {  	_ =	sdelay $0x2  }
0xa: {  	s4 =	sshra.s32 s4, $0x2  }
0xb: {  	[tilespmem:s4+$0x0] =	vst v0;
	v63 =	vimm.f32 $1.000000000e+00  }
0xc: {  	[tilespmem:$0x8000] =	vst v63  }
0xd: {  	[tilespmem:$0x8010] =	vst v63  }
0xe: {  	[tilespmem:$0x8020] =	vst v63  }
0xf: {  	[tilespmem:$0x8030] =	vst v63  }
0x10: {  	[tilespmem:$0x8040] =	vst v63  }
0x11: {  	s3 =	sshll.u32 s1, $0x11;
	[tilespmem:$0x8050] =	vst v63  }
0x12: {  	[tilespmem:$0x8060] =	vst v63;
	s3 =	sadd.s32 s3, s2  }
0x13: {  	s4 =	simm.s32 $0x0;
	s5 =	simm.s32 $0x800;
	[tilespmem:$0x8070] =	vst v63;
	s6 =	sadd.s32 $0x0, s3  }
.LBB2_3:
0x14: {  	[hbm4b:s6+s4] =	stream.linear.scatter [tilespmem:s4], [sflag:$0x1], $0x4000, $0x38;
	[tilespmem:$0x8080] =	vst v63  }
0x15: {  	s6 =	smov.u32 s5;
	p0 =	sne.s32 s5, $0x1F800  }
.Ltmp1:
0x16: {  	s5 =	sadd.s32 $0x800, s5;
	(pc) =	sbr.rel @p0 .LBB2_3-.Ltmp1, $2  }
0x17: {  	_ =	sdelay $0x2  }
0x18: {  	s6 =	sadd.s32 s6, s3  }
0x19: {  	[hbm4b:s6+s4] =	stream.linear.scatter [tilespmem:s4], [sflag:$0x1], $0x4000, $0x38;
	[tilespmem:$0x8080] =	vst v63  }
0x1a: {  	s3 =	sshll.u32 s1, $0x8  }
0x1b: {  	s3 =	sadd.s32 s3, s2  }
0x1c: {  	s31 =	simm.s32 $0x0;
	s3 =	sadd.s32 $0x208000, s3  }
0x1d: {  	[hbm4b:s3+s31] =	stream.linear.scatter [tilespmem:s31], [sflag:$0x1], $0x800, $0x38;
	[tilespmem:$0x8080] =	vst v63  }
0x1e: {  	s3 =	simm.s32 $0x1  }
0x1f: {  	_ =	swait.ge [sflag:s3], $0x4000  }
0x20: {  	s4 =	simm.s32 $0x3F;
	[sflag:s3] =	ssyncset.done $0x0  }
.LBB2_5:
0x21: {  	p0 =	sne.s32 s4, $0x1;
	s4 =	sadd.s32 $0xFFFFFFFF, s4;
	[sflag:s3] =	ssyncadd.s32 $0xFFFFC000  }
.Ltmp2:
0x22: {  	(pc) =	sbr.rel @p0 .LBB2_5-.Ltmp2, $3  }
0x23: {  	_ =	sdelay $0x1  }
0x24: {  	_ =	swait.ge [sflag:s3], $0x4000  }
0x25: {  	[sflag:s3] =	ssyncset.done $0x0  }
0x26: {  	[sflag:s3] =	ssyncadd.s32 $0xFFFFC000;
	s30 =	simm.s32 $0x1  }
0x27: {  	_ =	swait.ge [sflag:s30], $0x800  }
0x28: {  	[sflag:s30] =	ssyncset.done $0x0  }
0x29: {  	s31 =	simm.s32 $0x2;
	[sflag:s30] =	ssyncadd.s32 $0xFFFFF800  }
0x2a: {  	_ =	swait.ge [sflag:s31], $0x4000  }
0x2b: {  	[sflag:s31] =	ssyncset.done $0x0  }
0x2c: {  	s3 =	simm.s32 $0x0;
	[sflag:s31] =	ssyncadd.s32 $0xFFFFC000  }
0x2d: {  	s4 =	simm.s32 $0x8000;
	s6 =	simm.s32 $0x80;
	[bflag:$0x0] =	sbarrier.arrive $0xFFFF  }
.LBB2_7:
0x2e: {  	p0 =	sne.s32 s3, $0xFE00  }
.Ltmp3:
0x2f: {  	_ = 	snop;
	(pc) =	sbr.rel @p0 .LBB2_7-.Ltmp3, $4  }
0x30: {  	_ = 	snop  }
0x31: {  	s5 =	sshra.s32 s3, $0x2  }
0x32: {  	s3 =	sadd.s32 $0x200, s3;
	s5 =	sadd.s32 $0x4000, s5  }
0x33: {  	[hbm4b:s2+s6] =	stream.indirect.scatter [tilespmem:s4], [sflag:$0x3], $0x1, s5, s6, $0xb8;
	[tilespmem:$0x8080] =	vst v63  }
0x34: {  	s2 =	simm.s32 $0x3  }
0x35: {  	_ =	swait.ge [sflag:s2], $0x80  }
0x36: {  	s3 =	simm.s32 $0x7F;
	[sflag:s2] =	ssyncset.done $0x0  }
.LBB2_9:
0x37: {  	p0 =	sne.s32 s3, $0x1;
	s3 =	sadd.s32 $0xFFFFFFFF, s3;
	[sflag:s2] =	ssyncadd.s32 $0xFFFFFF80  }
.Ltmp4:
0x38: {  	(pc) =	sbr.rel @p0 .LBB2_9-.Ltmp4, $3  }
0x39: {  	_ =	sdelay $0x1  }
0x3a: {  	_ =	swait.ge [sflag:s2], $0x80  }
0x3b: {  	[sflag:s2] =	ssyncset.done $0x0  }
0x3c: {  	[sflag:s2] =	ssyncadd.s32 $0xFFFFFF80  }
0x3d: {  	_ =	sfence.sel $0x180000  }
0x3e: {  	[bflag:$0x0] =	sbarrier.arrive $0xFFFF  }
0x3f: {  	p0 =	sne.s32 s1, $0x0;
	_ =	strace $0x90000047  }
0x40: {  	s0 =	sadd.s32 @!p0 $0x100000, s0;
	[bflag:$0x2] =	sbarrier.arrive $0xFFFF  }
0x41: {  	[sflag:s0] =	ssyncadd.tile.s32 @!p0 $0x1;
	_ =	shalt  }
.Lfunc_end2:
_tile_overlayer_lowered:
.L_overlay_start_2:
0x42: {  	(tag) =	ssettag $0x2  }
0x43: {  	s0 =	rddreg [dreg:$0x0];
	s2 =	stileid.u32  }
0x44: {  	s1 =	rddreg [dreg:$0x1];
	p0 =	sne.s32 s2, $0x0  }
0x45: {  	s3 =	rddreg [dreg:$0x2];
	[bflag:$0x3] =	sbarrier.arrive $0xFFFF;
	s2 =	simm.s32 @!p0 $0x1C04  }
0x46: {  	[timem:s3], [sflag:s2] =	dma.local @!p0 [hbm:s0], s1  }
0x47: {  	s0 =	simm.s32 @!p0 $0x4  }
0x48: {  	_ =	swait.ge @!p0 [sflag:s0], s1  }
0x49: {  	s1 =	ssub.s32 @!p0 $0x0, s1;
	[sflag:s0] =	ssyncset.done @!p0 $0x0  }
0x4a: {  	[sflag:s0] =	ssyncadd.s32 @!p0 s1  }
0x4b: {  	[bflag:$0x3] =	sbarrier.arrive $0xFFFF  }
0x4c: {  	_ =	shalt  }

</sc_bundles>
